<compile_context>
chip_gen: v7x
topology: tpu7x:2x2x1
jax: 0.10.2.dev20260603
libtpu: 0.0.44.dev20260713+nightly
codegen_flags: <defaults>
</compile_context>

<pallas_src>
import jax
import jax.numpy as jnp
from jax.experimental import pallas as pl
from jax.experimental.pallas import tpu as pltpu

B, L, D = 16, 4096, 256
H, O = 512, 128
CHUNK = 1024
NC = L // CHUNK
TMAX = B * NC


def _rowsum8(x):
    n = x.shape[0]
    while n > 8:
        n //= 2
        x = x[:n] + x[n:]
    return x


def _fused_kernel(row1_ref, ch1_ref, row2_ref, ch2_ref, t12_ref,
                  l1_ref, l2_ref,
                  x1_hbm, x2_hbm, len1f_ref, len2f_ref,
                  w1_ref, b1_ref, w2_ref, b2_ref,
                  out_ref, acc1_ref, acc2_ref, e1_ref, e2_ref, t_ref):
    t1 = t12_ref[0]
    t2 = t12_ref[1]
    tmax = jnp.maximum(t1, t2)

    acc1_ref[...] = jnp.zeros_like(acc1_ref)
    acc2_ref[...] = jnp.zeros_like(acc2_ref)
    t_ref[0] = 0

    iota = jax.lax.broadcasted_iota(jnp.int32, (CHUNK, 1), 0)

    def x1_map(t):
        tc = jnp.minimum(t, t1 - 1)
        return (row1_ref[tc], ch1_ref[tc], 0)

    def x2_map(t):
        tc = jnp.minimum(t, t2 - 1)
        return (row2_ref[tc], ch2_ref[tc], 0)

    def body(x1_blk, x2_blk):
        t = t_ref[0]

        def accum(tlim, row_ref, ch_ref, len_ref, x_blk, acc_ref, e_ref):
            tc = jnp.minimum(t, tlim - 1)
            row = row_ref[tc]
            ch = ch_ref[tc]
            length = len_ref[row]
            lim = length - ch * CHUNK

            @pl.when((t < tlim) & (lim >= CHUNK))
            def _():
                acc_ref[...] += _rowsum8(x_blk[0])

            @pl.when((t < tlim) & (lim < CHUNK))
            def _():
                xm = jnp.where(iota < lim, x_blk[0], 0.0)
                acc_ref[...] += _rowsum8(xm)

            @pl.when((t < tlim) & (lim <= CHUNK))
            def _():
                e_ref[pl.ds(row, 1), :] = jnp.sum(acc_ref[...], axis=0,
                                                  keepdims=True)
                acc_ref[...] = jnp.zeros_like(acc_ref)

        accum(t1, row1_ref, ch1_ref, l1_ref, x1_blk, acc1_ref, e1_ref)
        accum(t2, row2_ref, ch2_ref, l2_ref, x2_blk, acc2_ref, e2_ref)
        t_ref[0] = t + 1

    pipeline = pltpu.emit_pipeline(
        body,
        grid=(tmax,),
        in_specs=[
            pl.BlockSpec((1, CHUNK, D), x1_map),
            pl.BlockSpec((1, CHUNK, D), x2_map),
        ],
    )
    pipeline(x1_hbm, x2_hbm)

    e1 = e1_ref[...] / len1f_ref[...]
    e2 = e2_ref[...] / len2f_ref[...]
    cat = jnp.concatenate([e1, e2, jnp.abs(e1 - e2), e1 * e2], axis=1)
    h = jnp.dot(cat, w1_ref[...], preferred_element_type=jnp.float32)
    h = jnp.maximum(h + b1_ref[...], 0.0)
    out_ref[...] = (
        jnp.dot(h, w2_ref[...], preferred_element_type=jnp.float32)
        + b2_ref[...]
    )


def _schedule(lengths):
    nc = (lengths + CHUNK - 1) // CHUNK
    t_total = jnp.sum(nc)
    starts = jnp.cumsum(nc) - nc
    row = jnp.repeat(jnp.arange(B, dtype=jnp.int32), nc,
                     total_repeat_length=TMAX)
    ch = jnp.arange(TMAX, dtype=jnp.int32) - starts[row]
    return row, ch, t_total


def kernel(X1, x1_lengths, X2, x2_lengths, W1, b1, W2, b2):
    len1f = x1_lengths.astype(jnp.float32).reshape(B, 1)
    len2f = x2_lengths.astype(jnp.float32).reshape(B, 1)
    row1, ch1, t1 = _schedule(x1_lengths)
    row2, ch2, t2 = _schedule(x2_lengths)
    t12 = jnp.stack([t1, t2]).astype(jnp.int32)

    grid_spec = pltpu.PrefetchScalarGridSpec(
        num_scalar_prefetch=7,
        grid=(1,),
        in_specs=[
            pl.BlockSpec(memory_space=pl.ANY),
            pl.BlockSpec(memory_space=pl.ANY),
            pl.BlockSpec((B, 1), lambda g, *_: (0, 0)),
            pl.BlockSpec((B, 1), lambda g, *_: (0, 0)),
            pl.BlockSpec((4 * D, H), lambda g, *_: (0, 0)),
            pl.BlockSpec((1, H), lambda g, *_: (0, 0)),
            pl.BlockSpec((H, O), lambda g, *_: (0, 0)),
            pl.BlockSpec((1, O), lambda g, *_: (0, 0)),
        ],
        out_specs=pl.BlockSpec((B, O), lambda g, *_: (0, 0)),
        scratch_shapes=[
            pltpu.VMEM((8, D), jnp.float32),
            pltpu.VMEM((8, D), jnp.float32),
            pltpu.VMEM((B, D), jnp.float32),
            pltpu.VMEM((B, D), jnp.float32),
            pltpu.SMEM((1,), jnp.int32),
        ],
    )

    return pl.pallas_call(
        _fused_kernel,
        grid_spec=grid_spec,
        out_shape=jax.ShapeDtypeStruct((B, O), jnp.float32),
        compiler_params=pltpu.CompilerParams(
            dimension_semantics=("arbitrary",),
        ),
    )(row1, ch1, row2, ch2, t12, x1_lengths, x2_lengths,
      X1, X2, len1f, len2f, W1, b1.reshape(1, H), W2, b2.reshape(1, O))

# --- scband reference (transcript-rebuilt; emitter-appended) ---
"""Pipeline reference for scband-base-model-5549097746451 (READ-ONLY COPY).

The authoritative reference and input builder live on the scoring server;
editing this copy changes nothing except your own understanding.
"""

import jax, jax.numpy as jnp
import numpy as np

B, L, D = 16, 4096, 256
H, O = 512, 128


def setup_inputs(seed: int = 0) -> dict:
    key = jax.random.key(seed)
    ks = jax.random.split(key, 8)
    X1 = jax.random.normal(ks[0], (B, L, D), dtype=jnp.float32)
    X2 = jax.random.normal(ks[1], (B, L, D), dtype=jnp.float32)
    # lengths in [1, L] to avoid empty-sequence mean (matches torch semantics for valid ragged input)
    x1_lengths = jax.random.randint(ks[2], (B,), 1, L + 1, dtype=jnp.int32)
    x2_lengths = jax.random.randint(ks[3], (B,), 1, L + 1, dtype=jnp.int32)
    # learned params sized per init_kwargs: l1: Linear(4*D -> H), l2: Linear(H -> O)
    W1 = (jax.random.normal(ks[4], (4 * D, H), dtype=jnp.float32) * 0.02)
    b1 = jnp.zeros((H,), dtype=jnp.float32)
    W2 = (jax.random.normal(ks[5], (H, O), dtype=jnp.float32) * 0.02)
    b2 = jnp.zeros((O,), dtype=jnp.float32)
    return {"X1": X1, "x1_lengths": x1_lengths, "X2": X2, "x2_lengths": x2_lengths,
            "W1": W1, "b1": b1, "W2": W2, "b2": b2}


def _embed(X, lengths):
    # masked mean over the first lengths[i] timesteps of each row
    mask = (jnp.arange(X.shape[1])[None, :] < lengths[:, None]).astype(X.dtype)
    s = jnp.sum(X * mask[:, :, None], axis=1)
    return s / lengths[:, None].astype(X.dtype)


def reference(X1, x1_lengths, X2, x2_lengths, W1, b1, W2, b2):
    E1 = _embed(X1, x1_lengths)
    E2 = _embed(X2, x2_lengths)
    abs_diff = jnp.abs(E1 - E2)
    elem = E1 * E2
    concat = jnp.concatenate([E1, E2, abs_diff, elem], axis=1)
    h = jax.nn.relu(concat @ W1 + b1)
    return h @ W2 + b2

if __name__ == "__main__":
    import jax
    _d = setup_inputs()
    print(jax.jit(kernel)(*tuple(_d.values())))

</pallas_src>

<mosaic_0001>
module attributes {stable_mosaic.version = 14 : i64} {
  func.func @_fused_kernel(%arg0: i32, %arg1: memref<64xi32, #tpu.memory_space<smem>>, %arg2: memref<64xi32, #tpu.memory_space<smem>>, %arg3: memref<64xi32, #tpu.memory_space<smem>>, %arg4: memref<64xi32, #tpu.memory_space<smem>>, %arg5: memref<2xi32, #tpu.memory_space<smem>>, %arg6: memref<16xi32, #tpu.memory_space<smem>>, %arg7: memref<16xi32, #tpu.memory_space<smem>>, %arg8: memref<16x4096x256xf32, #tpu.memory_space<any>>, %arg9: memref<16x4096x256xf32, #tpu.memory_space<any>>, %arg10: memref<16x1xf32, #tpu.memory_space<vmem>>, %arg11: memref<16x1xf32, #tpu.memory_space<vmem>>, %arg12: memref<1024x512xf32, #tpu.memory_space<vmem>>, %arg13: memref<1x512xf32, #tpu.memory_space<vmem>>, %arg14: memref<512x128xf32, #tpu.memory_space<vmem>>, %arg15: memref<1x128xf32, #tpu.memory_space<vmem>>, %arg16: memref<16x128xf32, #tpu.memory_space<vmem>>, %arg17: memref<8x256xf32, #tpu.memory_space<vmem>>, %arg18: memref<8x256xf32, #tpu.memory_space<vmem>>, %arg19: memref<16x256xf32, #tpu.memory_space<vmem>>, %arg20: memref<16x256xf32, #tpu.memory_space<vmem>>, %arg21: memref<1xi32, #tpu.memory_space<smem>>) attributes {dimension_semantics = [#tpu.dimension_semantics<arbitrary>], iteration_bounds = array<i64: 1>, scalar_prefetch = 7 : i64, scratch_operands = 5 : i64, tpu.core_type = #tpu.core_type<tc>, window_params = [{}, {}, {pipeline_mode = #tpu.pipeline_mode<synchronous>, transform_indices = @transform_2, window_bounds = array<i64: 16, 1>}, {pipeline_mode = #tpu.pipeline_mode<synchronous>, transform_indices = @transform_3, window_bounds = array<i64: 16, 1>}, {pipeline_mode = #tpu.pipeline_mode<synchronous>, transform_indices = @transform_4, window_bounds = array<i64: 1024, 512>}, {pipeline_mode = #tpu.pipeline_mode<synchronous>, transform_indices = @transform_5, window_bounds = array<i64: 1, 512>}, {pipeline_mode = #tpu.pipeline_mode<synchronous>, transform_indices = @transform_6, window_bounds = array<i64: 512, 128>}, {pipeline_mode = #tpu.pipeline_mode<synchronous>, transform_indices = @transform_7, window_bounds = array<i64: 1, 128>}, {pipeline_mode = #tpu.pipeline_mode<synchronous>, transform_indices = @transform_8, window_bounds = array<i64: 16, 128>}]} {
    %get3A = arith.constant 0 : index
    %get3A_0 = memref.load %arg5[%get3A] : memref<2xi32, #tpu.memory_space<smem>>
    %get3A_1 = arith.constant 1 : index
    %get3A_2 = memref.load %arg5[%get3A_1] : memref<2xi32, #tpu.memory_space<smem>>
    %max3A = arith.maxsi %get3A_0, %get3A_2 : i32
    %broadcast_in_dim3A = arith.constant 0.000000e+00 : f32
    %broadcast_in_dim3A_3 = vector.broadcast %broadcast_in_dim3A : f32 to vector<8x256xf32>
    %swap3A = arith.constant 0 : index
    %swap3A_4 = arith.constant 0 : index
    %swap3A_5 = vector.load %arg17[%swap3A, %swap3A_4] : memref<8x256xf32, #tpu.memory_space<vmem>>, vector<8x256xf32>
    tpu.vector_store %arg17[%swap3A, %swap3A_4], %broadcast_in_dim3A_3 {strides = array<i32>} : memref<8x256xf32, #tpu.memory_space<vmem>>, vector<8x256xf32>,
    %broadcast_in_dim3A_6 = arith.constant 0.000000e+00 : f32
    %broadcast_in_dim3A_7 = vector.broadcast %broadcast_in_dim3A_6 : f32 to vector<8x256xf32>
    %swap3A_8 = arith.constant 0 : index
    %swap3A_9 = arith.constant 0 : index
    %swap3A_10 = vector.load %arg18[%swap3A_8, %swap3A_9] : memref<8x256xf32, #tpu.memory_space<vmem>>, vector<8x256xf32>
    tpu.vector_store %arg18[%swap3A_8, %swap3A_9], %broadcast_in_dim3A_7 {strides = array<i32>} : memref<8x256xf32, #tpu.memory_space<vmem>>, vector<8x256xf32>,
    %swap3A_11 = arith.constant 0 : i32
    %swap3A_12 = arith.constant 0 : index
    %swap3A_13 = memref.load %arg21[%swap3A_12] : memref<1xi32, #tpu.memory_space<smem>>
    memref.store %swap3A_11, %arg21[%swap3A_12] : memref<1xi32, #tpu.memory_space<smem>>
    %iota3A = tpu.iota {dimensions = array<i32: 0>} : vector<1024x1xi32>
    %mul3A = arith.constant 1 : i32
    %mul3A_14 = arith.muli %mul3A, %max3A : i32
    "tpu.region"() ({
      %run_scoped3A = memref.alloca() : memref<2x1x1024x256xf32, #tpu.memory_space<vmem>>
      %run_scoped3A_55 = tpu.sem_alloc : memref<2x!tpu.dma_semaphore, #tpu.memory_space<semaphore_mem>>
      %run_scoped3A_56 = memref.alloca() : memref<2x1x1024x256xf32, #tpu.memory_space<vmem>>
      %run_scoped3A_57 = tpu.sem_alloc : memref<2x!tpu.dma_semaphore, #tpu.memory_space<semaphore_mem>>
      %gt3A = arith.constant 0 : i32
      %gt3A_58 = arith.cmpi sgt, %mul3A_14, %gt3A : i32
      %convert_element_type3A = arith.extui %gt3A_58 : i1 to i32
      %cond3A = arith.constant 0 : i32
      %cond3A_59 = arith.cmpi ne, %convert_element_type3A, %cond3A : i32
      scf.if %cond3A_59 {
        %mul3A_60 = arith.constant 1 : i32
        %mul3A_61 = arith.muli %mul3A_60, %max3A : i32
        %sub3A_62 = arith.constant 1 : i32
        %sub3A_63 = arith.subi %mul3A_61, %sub3A_62 : i32
        %eq3A = arith.constant 0 : i32
        %eq3A_64 = arith.cmpi eq, %sub3A_63, %eq3A : i32
        %select_n3A = arith.constant true
        %select_n3A_65 = arith.constant 0 : i32
        %select_n3A_66 = arith.constant -1 : i32
        %select_n3A_67 = arith.select %select_n3A, %select_n3A_66, %select_n3A_65 : i32
        %eq3A_68 = arith.constant -1 : i32
        %eq3A_69 = arith.cmpi eq, %select_n3A_67, %eq3A_68 : i32
        %sub3A_70 = arith.constant 1 : i32
        %sub3A_71 = arith.subi %max3A, %sub3A_70 : i32
        %select_n3A_72 = arith.select %eq3A_69, %sub3A_71, %select_n3A_67 : i32
        %add3A_73 = arith.constant 0 : i32
        %add3A_74 = arith.addi %select_n3A_72, %add3A_73 : i32
        %select_n3A_75 = arith.constant true
        %select_n3A_76 = arith.constant 0 : i32
        %select_n3A_77 = arith.constant 1 : i32
        %select_n3A_78 = arith.select %select_n3A_75, %select_n3A_77, %select_n3A_76 : i32
        %eq3A_79 = arith.cmpi eq, %select_n3A_78, %max3A : i32
        %select_n3A_80 = arith.constant 0 : i32
        %select_n3A_81 = arith.select %eq3A_79, %select_n3A_80, %select_n3A_78 : i32
        %add3A_82 = arith.constant 0 : i32
        %add3A_83 = arith.addi %select_n3A_81, %add3A_82 : i32
        %add3A_84 = arith.constant 1 : i32
        %add3A_85 = arith.addi %select_n3A_81, %add3A_84 : i32
        %select_n3A_86 = arith.constant true
        %select_n3A_87 = arith.select %select_n3A_86, %add3A_85, %select_n3A_81 : i32
        %eq3A_88 = arith.cmpi eq, %select_n3A_87, %max3A : i32
        %select_n3A_89 = arith.constant 0 : i32
        %select_n3A_90 = arith.select %eq3A_88, %select_n3A_89, %select_n3A_87 : i32
        %add3A_91 = arith.constant 0 : i32
        %add3A_92 = arith.addi %select_n3A_90, %add3A_91 : i32
        "tpu.trace_start"() <{level = 10 : i32, message = "ep_initialize_0"}> : () -> ()
        %rem3A = arith.constant 0 : i32
        %rem3A_93 = arith.constant 2 : i32
        %rem3A_94 = arith.remui %rem3A, %rem3A_93 : i32
        %sub3A_95 = arith.constant 1 : i32
        %sub3A_96 = arith.subi %get3A_0, %sub3A_95 : i32
        %min3A = arith.constant 0 : i32
        %min3A_97 = arith.minsi %min3A, %sub3A_96 : i32
        %get3A_98 = arith.index_cast %min3A_97 : i32 to index
        %get3A_99 = memref.load %arg1[%get3A_98] : memref<64xi32, #tpu.memory_space<smem>>
        %get3A_100 = arith.index_cast %min3A_97 : i32 to index
        %get3A_101 = memref.load %arg2[%get3A_100] : memref<64xi32, #tpu.memory_space<smem>>
        %mul3A_102 = arith.constant 1 : i32
        %mul3A_103 = arith.muli %mul3A_102, %get3A_99 : i32
        %mul3A_104 = arith.constant 1024 : i32
        %mul3A_105 = arith.muli %mul3A_104, %get3A_101 : i32
        %dma_start3A = tpu.memref_slice %run_scoped3A_55[%rem3A_94] : memref<2x!tpu.dma_semaphore, #tpu.memory_space<semaphore_mem>> -> memref<1x!tpu.dma_semaphore, #tpu.memory_space<semaphore_mem>>
        %dma_start3A_106 = tpu.memref_squeeze %dma_start3A : memref<1x!tpu.dma_semaphore, #tpu.memory_space<semaphore_mem>> -> memref<!tpu.dma_semaphore, #tpu.memory_space<semaphore_mem>>
        %dma_start3A_107 = arith.constant 0 : i32
        %dma_start3A_108 = arith.constant 0 : i32
        %dma_start3A_109 = arith.constant 0 : i32
        %dma_start3A_110 = tpu.memref_slice %run_scoped3A[%rem3A_94, %dma_start3A_107, %dma_start3A_108, %dma_start3A_109] : memref<2x1x1024x256xf32, #tpu.memory_space<vmem>> -> memref<1x1x1024x256xf32, #tpu.memory_space<vmem>>
        %dma_start3A_111 = tpu.memref_squeeze %dma_start3A_110 : memref<1x1x1024x256xf32, #tpu.memory_space<vmem>> -> memref<1x1024x256xf32, #tpu.memory_space<vmem>>
        %dma_start3A_112 = arith.constant 0 : i32
        %dma_start3A_113 = tpu.memref_slice %arg8[%mul3A_103, %mul3A_105, %dma_start3A_112] : memref<16x4096x256xf32, #tpu.memory_space<any>> -> memref<1x1024x256xf32, #tpu.memory_space<any>>
        tpu.enqueue_dma source(%dma_start3A_113 : memref<1x1024x256xf32, #tpu.memory_space<any>>) target(%dma_start3A_111 : memref<1x1024x256xf32, #tpu.memory_space<vmem>>) target_semaphore(%dma_start3A_106 : memref<!tpu.dma_semaphore, #tpu.memory_space<semaphore_mem>>)
        %add3A_114 = arith.constant 0 : i32
        %add3A_115 = arith.constant 1 : i32
        %add3A_116 = arith.addi %add3A_114, %add3A_115 : i32
        %select_n3A_117 = arith.constant true
        %select_n3A_118 = arith.constant 0 : i32
        %select_n3A_119 = arith.select %select_n3A_117, %add3A_116, %select_n3A_118 : i32
        %rem3A_120 = arith.constant 0 : i32
        %rem3A_121 = arith.constant 2 : i32
        %rem3A_122 = arith.remui %rem3A_120, %rem3A_121 : i32
        %sub3A_123 = arith.constant 1 : i32
        %sub3A_124 = arith.subi %get3A_2, %sub3A_123 : i32
        %min3A_125 = arith.constant 0 : i32
        %min3A_126 = arith.minsi %min3A_125, %sub3A_124 : i32
        %get3A_127 = arith.index_cast %min3A_126 : i32 to index
        %get3A_128 = memref.load %arg3[%get3A_127] : memref<64xi32, #tpu.memory_space<smem>>
        %get3A_129 = arith.index_cast %min3A_126 : i32 to index
        %get3A_130 = memref.load %arg4[%get3A_129] : memref<64xi32, #tpu.memory_space<smem>>
        %mul3A_131 = arith.constant 1 : i32
        %mul3A_132 = arith.muli %mul3A_131, %get3A_128 : i32
        %mul3A_133 = arith.constant 1024 : i32
        %mul3A_134 = arith.muli %mul3A_133, %get3A_130 : i32
        %dma_start3A_135 = tpu.memref_slice %run_scoped3A_57[%rem3A_122] : memref<2x!tpu.dma_semaphore, #tpu.memory_space<semaphore_mem>> -> memref<1x!tpu.dma_semaphore, #tpu.memory_space<semaphore_mem>>
        %dma_start3A_136 = tpu.memref_squeeze %dma_start3A_135 : memref<1x!tpu.dma_semaphore, #tpu.memory_space<semaphore_mem>> -> memref<!tpu.dma_semaphore, #tpu.memory_space<semaphore_mem>>
        %dma_start3A_137 = arith.constant 0 : i32
        %dma_start3A_138 = arith.constant 0 : i32
        %dma_start3A_139 = arith.constant 0 : i32
        %dma_start3A_140 = tpu.memref_slice %run_scoped3A_56[%rem3A_122, %dma_start3A_137, %dma_start3A_138, %dma_start3A_139] : memref<2x1x1024x256xf32, #tpu.memory_space<vmem>> -> memref<1x1x1024x256xf32, #tpu.memory_space<vmem>>
        %dma_start3A_141 = tpu.memref_squeeze %dma_start3A_140 : memref<1x1x1024x256xf32, #tpu.memory_space<vmem>> -> memref<1x1024x256xf32, #tpu.memory_space<vmem>>
        %dma_start3A_142 = arith.constant 0 : i32
        %dma_start3A_143 = tpu.memref_slice %arg9[%mul3A_132, %mul3A_134, %dma_start3A_142] : memref<16x4096x256xf32, #tpu.memory_space<any>> -> memref<1x1024x256xf32, #tpu.memory_space<any>>
        tpu.enqueue_dma source(%dma_start3A_143 : memref<1x1024x256xf32, #tpu.memory_space<any>>) target(%dma_start3A_141 : memref<1x1024x256xf32, #tpu.memory_space<vmem>>) target_semaphore(%dma_start3A_136 : memref<!tpu.dma_semaphore, #tpu.memory_space<semaphore_mem>>)
        %add3A_144 = arith.constant 0 : i32
        %add3A_145 = arith.constant 1 : i32
        %add3A_146 = arith.addi %add3A_144, %add3A_145 : i32
        %select_n3A_147 = arith.constant true
        %select_n3A_148 = arith.constant 0 : i32
        %select_n3A_149 = arith.select %select_n3A_147, %add3A_146, %select_n3A_148 : i32
        %while3A = arith.constant 0 : i32
        %while3A_150 = arith.constant 0 : i32
        %while3A_151 = arith.constant 0 : i32
        %while3A_152 = arith.constant 0 : i32
        "tpu.trace_stop"() : () -> ()
        %while3A_153 = arith.subi %mul3A_14, %while3A : i32
        %while3A_154 = arith.addi %while3A, %while3A_153 : i32
        %while3A_155 = arith.constant 1 : i32
        %while3A_156 = arith.divsi %while3A_153, %while3A_155 : i32
        %while3A_157 = arith.muli %while3A_156, %while3A_155 : i32
        %while3A_158 = arith.addi %while3A, %while3A_157 : i32
        %while3A_159 = arith.constant 1 : i32
        %while3A_160:5 = scf.for %while3A_218 = %while3A to %while3A_158 step %while3A_159 iter_args(%while3A_219 = %select_n3A_119, %while3A_220 = %while3A_150, %while3A_221 = %select_n3A_149, %while3A_222 = %while3A_151, %while3A_223 = %while3A_152) -> (i32, i32, i32, i32, i32)  : i32 {
          %mul3A_224 = arith.constant 1 : i32
          %mul3A_225 = arith.muli %mul3A_224, %max3A : i32
          %eq3A_226 = arith.constant 0 : i32
          %eq3A_227 = arith.cmpi eq, %while3A_218, %eq3A_226 : i32
          %sub3A_228 = arith.constant 1 : i32
          %sub3A_229 = arith.subi %mul3A_225, %sub3A_228 : i32
          %eq3A_230 = arith.cmpi eq, %while3A_218, %sub3A_229 : i32
          %add3A_231 = arith.constant 0 : i32
          %add3A_232 = arith.addi %while3A_223, %add3A_231 : i32
          %sub3A_233 = arith.constant 1 : i32
          %sub3A_234 = arith.subi %while3A_223, %sub3A_233 : i32
          %select_n3A_235 = arith.constant true
          %select_n3A_236 = arith.select %select_n3A_235, %sub3A_234, %while3A_223 : i32
          %eq3A_237 = arith.constant -1 : i32
          %eq3A_238 = arith.cmpi eq, %select_n3A_236, %eq3A_237 : i32
          %sub3A_239 = arith.constant 1 : i32
          %sub3A_240 = arith.subi %max3A, %sub3A_239 : i32
          %select_n3A_241 = arith.select %eq3A_238, %sub3A_240, %select_n3A_236 : i32
          %add3A_242 = arith.constant 0 : i32
          %add3A_243 = arith.addi %select_n3A_241, %add3A_242 : i32
          %add3A_244 = arith.constant 1 : i32
          %add3A_245 = arith.addi %while3A_223, %add3A_244 : i32
          %select_n3A_246 = arith.constant true
          %select_n3A_247 = arith.select %select_n3A_246, %add3A_245, %while3A_223 : i32
          %eq3A_248 = arith.cmpi eq, %select_n3A_247, %max3A : i32
          %select_n3A_249 = arith.constant 0 : i32
          %select_n3A_250 = arith.select %eq3A_248, %select_n3A_249, %select_n3A_247 : i32
          %add3A_251 = arith.constant 0 : i32
          %add3A_252 = arith.addi %select_n3A_250, %add3A_251 : i32
          %add3A_253 = arith.constant 1 : i32
          %add3A_254 = arith.addi %select_n3A_250, %add3A_253 : i32
          %select_n3A_255 = arith.constant true
          %select_n3A_256 = arith.select %select_n3A_255, %add3A_254, %select_n3A_250 : i32
          %eq3A_257 = arith.cmpi eq, %select_n3A_256, %max3A : i32
          %select_n3A_258 = arith.constant 0 : i32
          %select_n3A_259 = arith.select %eq3A_257, %select_n3A_258, %select_n3A_256 : i32
          %add3A_260 = arith.constant 0 : i32
          %add3A_261 = arith.addi %select_n3A_259, %add3A_260 : i32
          %sub3A_262 = arith.constant 1 : i32
          %sub3A_263 = arith.subi %get3A_0, %sub3A_262 : i32
          %min3A_264 = arith.minsi %add3A_232, %sub3A_263 : i32
          %get3A_265 = arith.index_cast %min3A_264 : i32 to index
          %get3A_266 = memref.load %arg1[%get3A_265] : memref<64xi32, #tpu.memory_space<smem>>
          %get3A_267 = arith.index_cast %min3A_264 : i32 to index
          %get3A_268 = memref.load %arg2[%get3A_267] : memref<64xi32, #tpu.memory_space<smem>>
          %sub3A_269 = arith.constant 1 : i32
          %sub3A_270 = arith.subi %get3A_0, %sub3A_269 : i32
          %min3A_271 = arith.minsi %add3A_252, %sub3A_270 : i32
          %get3A_272 = arith.index_cast %min3A_271 : i32 to index
          %get3A_273 = memref.load %arg1[%get3A_272] : memref<64xi32, #tpu.memory_space<smem>>
          %get3A_274 = arith.index_cast %min3A_271 : i32 to index
          %get3A_275 = memref.load %arg2[%get3A_274] : memref<64xi32, #tpu.memory_space<smem>>
          %ne3A = arith.cmpi ne, %get3A_266, %get3A_273 : i32
          %ne3A_276 = arith.cmpi ne, %get3A_268, %get3A_275 : i32
          %or3A = arith.constant false
          %or3A_277 = arith.ori %or3A, %ne3A : i1
          %or3A_278 = arith.ori %or3A_277, %ne3A_276 : i1
          %or3A_279 = arith.constant false
          %or3A_280 = arith.ori %or3A_278, %or3A_279 : i1
          %sub3A_281 = arith.constant 2 : i32
          %sub3A_282 = arith.subi %mul3A_225, %sub3A_281 : i32
          %add3A_283 = arith.constant 1 : i32
          %add3A_284 = arith.addi %sub3A_282, %add3A_283 : i32
          %ge3A = arith.cmpi sge, %while3A_218, %add3A_284 : i32
          %not3A = arith.constant true
          %not3A_285 = arith.xori %ge3A, %not3A : i1
          %and3A = arith.andi %or3A_280, %not3A_285 : i1
          %convert_element_type3A_286 = arith.extui %and3A : i1 to i32
          %cond3A_287 = arith.constant 0 : i32
          %cond3A_288 = arith.cmpi ne, %convert_element_type3A_286, %cond3A_287 : i32
          scf.if %cond3A_288 {
            "tpu.trace_start"() <{level = 10 : i32, message = "ep_copy_in"}> : () -> ()
            %rem3A_624 = arith.constant 2 : i32
            %rem3A_625 = arith.remui %while3A_219, %rem3A_624 : i32
            %sub3A_626 = arith.constant 1 : i32
            %sub3A_627 = arith.subi %get3A_0, %sub3A_626 : i32
            %min3A_628 = arith.minsi %add3A_252, %sub3A_627 : i32
            %get3A_629 = arith.index_cast %min3A_628 : i32 to index
            %get3A_630 = memref.load %arg1[%get3A_629] : memref<64xi32, #tpu.memory_space<smem>>
            %get3A_631 = arith.index_cast %min3A_628 : i32 to index
            %get3A_632 = memref.load %arg2[%get3A_631] : memref<64xi32, #tpu.memory_space<smem>>
            %mul3A_633 = arith.constant 1 : i32
            %mul3A_634 = arith.muli %mul3A_633, %get3A_630 : i32
            %mul3A_635 = arith.constant 1024 : i32
            %mul3A_636 = arith.muli %mul3A_635, %get3A_632 : i32
            %dma_start3A_637 = tpu.memref_slice %run_scoped3A_55[%rem3A_625] : memref<2x!tpu.dma_semaphore, #tpu.memory_space<semaphore_mem>> -> memref<1x!tpu.dma_semaphore, #tpu.memory_space<semaphore_mem>>
            %dma_start3A_638 = tpu.memref_squeeze %dma_start3A_637 : memref<1x!tpu.dma_semaphore, #tpu.memory_space<semaphore_mem>> -> memref<!tpu.dma_semaphore, #tpu.memory_space<semaphore_mem>>
            %dma_start3A_639 = arith.constant 0 : i32
            %dma_start3A_640 = arith.constant 0 : i32
            %dma_start3A_641 = arith.constant 0 : i32
            %dma_start3A_642 = tpu.memref_slice %run_scoped3A[%rem3A_625, %dma_start3A_639, %dma_start3A_640, %dma_start3A_641] : memref<2x1x1024x256xf32, #tpu.memory_space<vmem>> -> memref<1x1x1024x256xf32, #tpu.memory_space<vmem>>
            %dma_start3A_643 = tpu.memref_squeeze %dma_start3A_642 : memref<1x1x1024x256xf32, #tpu.memory_space<vmem>> -> memref<1x1024x256xf32, #tpu.memory_space<vmem>>
            %dma_start3A_644 = arith.constant 0 : i32
            %dma_start3A_645 = tpu.memref_slice %arg8[%mul3A_634, %mul3A_636, %dma_start3A_644] : memref<16x4096x256xf32, #tpu.memory_space<any>> -> memref<1x1024x256xf32, #tpu.memory_space<any>>
            tpu.enqueue_dma source(%dma_start3A_645 : memref<1x1024x256xf32, #tpu.memory_space<any>>) target(%dma_start3A_643 : memref<1x1024x256xf32, #tpu.memory_space<vmem>>) target_semaphore(%dma_start3A_638 : memref<!tpu.dma_semaphore, #tpu.memory_space<semaphore_mem>>)
            "tpu.trace_stop"() : () -> ()
          } else {
          }
          %and3A_289 = arith.constant true
          %and3A_290 = arith.andi %and3A, %and3A_289 : i1
          %add3A_291 = arith.constant 1 : i32
          %add3A_292 = arith.addi %while3A_219, %add3A_291 : i32
          %select_n3A_293 = arith.select %and3A_290, %add3A_292, %while3A_219 : i32
          %sub3A_294 = arith.constant 1 : i32
          %sub3A_295 = arith.subi %get3A_2, %sub3A_294 : i32
          %min3A_296 = arith.minsi %add3A_232, %sub3A_295 : i32
          %get3A_297 = arith.index_cast %min3A_296 : i32 to index
          %get3A_298 = memref.load %arg3[%get3A_297] : memref<64xi32, #tpu.memory_space<smem>>
          %get3A_299 = arith.index_cast %min3A_296 : i32 to index
          %get3A_300 = memref.load %arg4[%get3A_299] : memref<64xi32, #tpu.memory_space<smem>>
          %sub3A_301 = arith.constant 1 : i32
          %sub3A_302 = arith.subi %get3A_2, %sub3A_301 : i32
          %min3A_303 = arith.minsi %add3A_252, %sub3A_302 : i32
          %get3A_304 = arith.index_cast %min3A_303 : i32 to index
          %get3A_305 = memref.load %arg3[%get3A_304] : memref<64xi32, #tpu.memory_space<smem>>
          %get3A_306 = arith.index_cast %min3A_303 : i32 to index
          %get3A_307 = memref.load %arg4[%get3A_306] : memref<64xi32, #tpu.memory_space<smem>>
          %ne3A_308 = arith.cmpi ne, %get3A_298, %get3A_305 : i32
          %ne3A_309 = arith.cmpi ne, %get3A_300, %get3A_307 : i32
          %or3A_310 = arith.constant false
          %or3A_311 = arith.ori %or3A_310, %ne3A_308 : i1
          %or3A_312 = arith.ori %or3A_311, %ne3A_309 : i1
          %or3A_313 = arith.constant false
          %or3A_314 = arith.ori %or3A_312, %or3A_313 : i1
          %sub3A_315 = arith.constant 2 : i32
          %sub3A_316 = arith.subi %mul3A_225, %sub3A_315 : i32
          %add3A_317 = arith.constant 1 : i32
          %add3A_318 = arith.addi %sub3A_316, %add3A_317 : i32
          %ge3A_319 = arith.cmpi sge, %while3A_218, %add3A_318 : i32
          %not3A_320 = arith.constant true
          %not3A_321 = arith.xori %ge3A_319, %not3A_320 : i1
          %and3A_322 = arith.andi %or3A_314, %not3A_321 : i1
          %convert_element_type3A_323 = arith.extui %and3A_322 : i1 to i32
          %cond3A_324 = arith.constant 0 : i32
          %cond3A_325 = arith.cmpi ne, %convert_element_type3A_323, %cond3A_324 : i32
          scf.if %cond3A_325 {
            "tpu.trace_start"() <{level = 10 : i32, message = "ep_copy_in"}> : () -> ()
            %rem3A_624 = arith.constant 2 : i32
            %rem3A_625 = arith.remui %while3A_221, %rem3A_624 : i32
            %sub3A_626 = arith.constant 1 : i32
            %sub3A_627 = arith.subi %get3A_2, %sub3A_626 : i32
            %min3A_628 = arith.minsi %add3A_252, %sub3A_627 : i32
            %get3A_629 = arith.index_cast %min3A_628 : i32 to index
            %get3A_630 = memref.load %arg3[%get3A_629] : memref<64xi32, #tpu.memory_space<smem>>
            %get3A_631 = arith.index_cast %min3A_628 : i32 to index
            %get3A_632 = memref.load %arg4[%get3A_631] : memref<64xi32, #tpu.memory_space<smem>>
            %mul3A_633 = arith.constant 1 : i32
            %mul3A_634 = arith.muli %mul3A_633, %get3A_630 : i32
            %mul3A_635 = arith.constant 1024 : i32
            %mul3A_636 = arith.muli %mul3A_635, %get3A_632 : i32
            %dma_start3A_637 = tpu.memref_slice %run_scoped3A_57[%rem3A_625] : memref<2x!tpu.dma_semaphore, #tpu.memory_space<semaphore_mem>> -> memref<1x!tpu.dma_semaphore, #tpu.memory_space<semaphore_mem>>
            %dma_start3A_638 = tpu.memref_squeeze %dma_start3A_637 : memref<1x!tpu.dma_semaphore, #tpu.memory_space<semaphore_mem>> -> memref<!tpu.dma_semaphore, #tpu.memory_space<semaphore_mem>>
            %dma_start3A_639 = arith.constant 0 : i32
            %dma_start3A_640 = arith.constant 0 : i32
            %dma_start3A_641 = arith.constant 0 : i32
            %dma_start3A_642 = tpu.memref_slice %run_scoped3A_56[%rem3A_625, %dma_start3A_639, %dma_start3A_640, %dma_start3A_641] : memref<2x1x1024x256xf32, #tpu.memory_space<vmem>> -> memref<1x1x1024x256xf32, #tpu.memory_space<vmem>>
            %dma_start3A_643 = tpu.memref_squeeze %dma_start3A_642 : memref<1x1x1024x256xf32, #tpu.memory_space<vmem>> -> memref<1x1024x256xf32, #tpu.memory_space<vmem>>
            %dma_start3A_644 = arith.constant 0 : i32
            %dma_start3A_645 = tpu.memref_slice %arg9[%mul3A_634, %mul3A_636, %dma_start3A_644] : memref<16x4096x256xf32, #tpu.memory_space<any>> -> memref<1x1024x256xf32, #tpu.memory_space<any>>
            tpu.enqueue_dma source(%dma_start3A_645 : memref<1x1024x256xf32, #tpu.memory_space<any>>) target(%dma_start3A_643 : memref<1x1024x256xf32, #tpu.memory_space<vmem>>) target_semaphore(%dma_start3A_638 : memref<!tpu.dma_semaphore, #tpu.memory_space<semaphore_mem>>)
            "tpu.trace_stop"() : () -> ()
          } else {
          }
          %and3A_326 = arith.constant true
          %and3A_327 = arith.andi %and3A_322, %and3A_326 : i1
          %add3A_328 = arith.constant 1 : i32
          %add3A_329 = arith.addi %while3A_221, %add3A_328 : i32
          %select_n3A_330 = arith.select %and3A_327, %add3A_329, %while3A_221 : i32
          %sub3A_331 = arith.constant 1 : i32
          %sub3A_332 = arith.subi %get3A_0, %sub3A_331 : i32
          %min3A_333 = arith.minsi %add3A_232, %sub3A_332 : i32
          %get3A_334 = arith.index_cast %min3A_333 : i32 to index
          %get3A_335 = memref.load %arg1[%get3A_334] : memref<64xi32, #tpu.memory_space<smem>>
          %get3A_336 = arith.index_cast %min3A_333 : i32 to index
          %get3A_337 = memref.load %arg2[%get3A_336] : memref<64xi32, #tpu.memory_space<smem>>
          %sub3A_338 = arith.constant 1 : i32
          %sub3A_339 = arith.subi %get3A_0, %sub3A_338 : i32
          %min3A_340 = arith.minsi %add3A_243, %sub3A_339 : i32
          %get3A_341 = arith.index_cast %min3A_340 : i32 to index
          %get3A_342 = memref.load %arg1[%get3A_341] : memref<64xi32, #tpu.memory_space<smem>>
          %get3A_343 = arith.index_cast %min3A_340 : i32 to index
          %get3A_344 = memref.load %arg2[%get3A_343] : memref<64xi32, #tpu.memory_space<smem>>
          %ne3A_345 = arith.cmpi ne, %get3A_335, %get3A_342 : i32
          %ne3A_346 = arith.cmpi ne, %get3A_337, %get3A_344 : i32
          %or3A_347 = arith.constant false
          %or3A_348 = arith.ori %or3A_347, %ne3A_345 : i1
          %or3A_349 = arith.ori %or3A_348, %ne3A_346 : i1
          %or3A_350 = arith.constant false
          %or3A_351 = arith.ori %or3A_349, %or3A_350 : i1
          %or3A_352 = arith.ori %or3A_351, %eq3A_227 : i1
          %convert_element_type3A_353 = arith.extui %or3A_352 : i1 to i32
          %cond3A_354 = arith.constant 0 : i32
          %cond3A_355 = arith.cmpi ne, %convert_element_type3A_353, %cond3A_354 : i32
          scf.if %cond3A_355 {
            "tpu.trace_start"() <{level = 10 : i32, message = "ep_wait_in"}> : () -> ()
            %sub3A_624 = arith.constant 1 : i32
            %sub3A_625 = arith.subi %get3A_0, %sub3A_624 : i32
            %min3A_626 = arith.minsi %add3A_232, %sub3A_625 : i32
            %get3A_627 = arith.index_cast %min3A_626 : i32 to index
            %get3A_628 = memref.load %arg1[%get3A_627] : memref<64xi32, #tpu.memory_space<smem>>
            %get3A_629 = arith.index_cast %min3A_626 : i32 to index
            %get3A_630 = memref.load %arg2[%get3A_629] : memref<64xi32, #tpu.memory_space<smem>>
            %mul3A_631 = arith.constant 1 : i32
            %mul3A_632 = arith.muli %mul3A_631, %get3A_628 : i32
            %mul3A_633 = arith.constant 1024 : i32
            %mul3A_634 = arith.muli %mul3A_633, %get3A_630 : i32
            %rem3A_635 = arith.constant 2 : i32
            %rem3A_636 = arith.remui %while3A_220, %rem3A_635 : i32
            %dma_wait3A = tpu.memref_slice %run_scoped3A_55[%rem3A_636] : memref<2x!tpu.dma_semaphore, #tpu.memory_space<semaphore_mem>> -> memref<1x!tpu.dma_semaphore, #tpu.memory_space<semaphore_mem>>
            %dma_wait3A_637 = tpu.memref_squeeze %dma_wait3A : memref<1x!tpu.dma_semaphore, #tpu.memory_space<semaphore_mem>> -> memref<!tpu.dma_semaphore, #tpu.memory_space<semaphore_mem>>
            %dma_wait3A_638 = arith.constant 0 : i32
            %dma_wait3A_639 = arith.constant 0 : i32
            %dma_wait3A_640 = arith.constant 0 : i32
            %dma_wait3A_641 = tpu.memref_slice %run_scoped3A[%rem3A_636, %dma_wait3A_638, %dma_wait3A_639, %dma_wait3A_640] : memref<2x1x1024x256xf32, #tpu.memory_space<vmem>> -> memref<1x1x1024x256xf32, #tpu.memory_space<vmem>>
            %dma_wait3A_642 = tpu.memref_squeeze %dma_wait3A_641 : memref<1x1x1024x256xf32, #tpu.memory_space<vmem>> -> memref<1x1024x256xf32, #tpu.memory_space<vmem>>
            %dma_wait3A_643 = arith.constant 0 : i32
            %dma_wait3A_644 = tpu.memref_slice %arg8[%mul3A_632, %mul3A_634, %dma_wait3A_643] : memref<16x4096x256xf32, #tpu.memory_space<any>> -> memref<1x1024x256xf32, #tpu.memory_space<any>>
            tpu.wait_dma2 semaphore(%dma_wait3A_637 : memref<!tpu.dma_semaphore, #tpu.memory_space<semaphore_mem>>) src(%dma_wait3A_644 : memref<1x1024x256xf32, #tpu.memory_space<any>>) dst(%dma_wait3A_642 : memref<1x1024x256xf32, #tpu.memory_space<vmem>>)
            "tpu.trace_stop"() : () -> ()
          } else {
          }
          %sub3A_356 = arith.constant 1 : i32
          %sub3A_357 = arith.subi %get3A_2, %sub3A_356 : i32
          %min3A_358 = arith.minsi %add3A_232, %sub3A_357 : i32
          %get3A_359 = arith.index_cast %min3A_358 : i32 to index
          %get3A_360 = memref.load %arg3[%get3A_359] : memref<64xi32, #tpu.memory_space<smem>>
          %get3A_361 = arith.index_cast %min3A_358 : i32 to index
          %get3A_362 = memref.load %arg4[%get3A_361] : memref<64xi32, #tpu.memory_space<smem>>
          %sub3A_363 = arith.constant 1 : i32
          %sub3A_364 = arith.subi %get3A_2, %sub3A_363 : i32
          %min3A_365 = arith.minsi %add3A_243, %sub3A_364 : i32
          %get3A_366 = arith.index_cast %min3A_365 : i32 to index
          %get3A_367 = memref.load %arg3[%get3A_366] : memref<64xi32, #tpu.memory_space<smem>>
          %get3A_368 = arith.index_cast %min3A_365 : i32 to index
          %get3A_369 = memref.load %arg4[%get3A_368] : memref<64xi32, #tpu.memory_space<smem>>
          %ne3A_370 = arith.cmpi ne, %get3A_360, %get3A_367 : i32
          %ne3A_371 = arith.cmpi ne, %get3A_362, %get3A_369 : i32
          %or3A_372 = arith.constant false
          %or3A_373 = arith.ori %or3A_372, %ne3A_370 : i1
          %or3A_374 = arith.ori %or3A_373, %ne3A_371 : i1
          %or3A_375 = arith.constant false
          %or3A_376 = arith.ori %or3A_374, %or3A_375 : i1
          %or3A_377 = arith.ori %or3A_376, %eq3A_227 : i1
          %convert_element_type3A_378 = arith.extui %or3A_377 : i1 to i32
          %cond3A_379 = arith.constant 0 : i32
          %cond3A_380 = arith.cmpi ne, %convert_element_type3A_378, %cond3A_379 : i32
          scf.if %cond3A_380 {
            "tpu.trace_start"() <{level = 10 : i32, message = "ep_wait_in"}> : () -> ()
            %sub3A_624 = arith.constant 1 : i32
            %sub3A_625 = arith.subi %get3A_2, %sub3A_624 : i32
            %min3A_626 = arith.minsi %add3A_232, %sub3A_625 : i32
            %get3A_627 = arith.index_cast %min3A_626 : i32 to index
            %get3A_628 = memref.load %arg3[%get3A_627] : memref<64xi32, #tpu.memory_space<smem>>
            %get3A_629 = arith.index_cast %min3A_626 : i32 to index
            %get3A_630 = memref.load %arg4[%get3A_629] : memref<64xi32, #tpu.memory_space<smem>>
            %mul3A_631 = arith.constant 1 : i32
            %mul3A_632 = arith.muli %mul3A_631, %get3A_628 : i32
            %mul3A_633 = arith.constant 1024 : i32
            %mul3A_634 = arith.muli %mul3A_633, %get3A_630 : i32
            %rem3A_635 = arith.constant 2 : i32
            %rem3A_636 = arith.remui %while3A_222, %rem3A_635 : i32
            %dma_wait3A = tpu.memref_slice %run_scoped3A_57[%rem3A_636] : memref<2x!tpu.dma_semaphore, #tpu.memory_space<semaphore_mem>> -> memref<1x!tpu.dma_semaphore, #tpu.memory_space<semaphore_mem>>
            %dma_wait3A_637 = tpu.memref_squeeze %dma_wait3A : memref<1x!tpu.dma_semaphore, #tpu.memory_space<semaphore_mem>> -> memref<!tpu.dma_semaphore, #tpu.memory_space<semaphore_mem>>
            %dma_wait3A_638 = arith.constant 0 : i32
            %dma_wait3A_639 = arith.constant 0 : i32
            %dma_wait3A_640 = arith.constant 0 : i32
            %dma_wait3A_641 = tpu.memref_slice %run_scoped3A_56[%rem3A_636, %dma_wait3A_638, %dma_wait3A_639, %dma_wait3A_640] : memref<2x1x1024x256xf32, #tpu.memory_space<vmem>> -> memref<1x1x1024x256xf32, #tpu.memory_space<vmem>>
            %dma_wait3A_642 = tpu.memref_squeeze %dma_wait3A_641 : memref<1x1x1024x256xf32, #tpu.memory_space<vmem>> -> memref<1x1024x256xf32, #tpu.memory_space<vmem>>
            %dma_wait3A_643 = arith.constant 0 : i32
            %dma_wait3A_644 = tpu.memref_slice %arg9[%mul3A_632, %mul3A_634, %dma_wait3A_643] : memref<16x4096x256xf32, #tpu.memory_space<any>> -> memref<1x1024x256xf32, #tpu.memory_space<any>>
            tpu.wait_dma2 semaphore(%dma_wait3A_637 : memref<!tpu.dma_semaphore, #tpu.memory_space<semaphore_mem>>) src(%dma_wait3A_644 : memref<1x1024x256xf32, #tpu.memory_space<any>>) dst(%dma_wait3A_642 : memref<1x1024x256xf32, #tpu.memory_space<vmem>>)
            "tpu.trace_stop"() : () -> ()
          } else {
          }
          %rem3A_381 = arith.constant 2 : i32
          %rem3A_382 = arith.remui %while3A_220, %rem3A_381 : i32
          %rem3A_383 = arith.constant 2 : i32
          %rem3A_384 = arith.remui %while3A_222, %rem3A_383 : i32
          "tpu.trace_start"() <{level = 10 : i32, message = "ep_run_kernel"}> : () -> ()
          %get3A_385 = arith.constant 0 : index
          %get3A_386 = memref.load %arg21[%get3A_385] : memref<1xi32, #tpu.memory_space<smem>>
          %sub3A_387 = arith.constant 1 : i32
          %sub3A_388 = arith.subi %get3A_0, %sub3A_387 : i32
          %min3A_389 = arith.minsi %get3A_386, %sub3A_388 : i32
          %get3A_390 = arith.index_cast %min3A_389 : i32 to index
          %get3A_391 = memref.load %arg1[%get3A_390] : memref<64xi32, #tpu.memory_space<smem>>
          %get3A_392 = arith.index_cast %min3A_389 : i32 to index
          %get3A_393 = memref.load %arg2[%get3A_392] : memref<64xi32, #tpu.memory_space<smem>>
          %get3A_394 = arith.index_cast %get3A_391 : i32 to index
          %get3A_395 = memref.load %arg6[%get3A_394] : memref<16xi32, #tpu.memory_space<smem>>
          %mul3A_396 = arith.constant 1024 : i32
          %mul3A_397 = arith.muli %get3A_393, %mul3A_396 : i32
          %sub3A_398 = arith.subi %get3A_395, %mul3A_397 : i32
          %lt3A = arith.cmpi slt, %get3A_386, %get3A_0 : i32
          %ge3A_399 = arith.constant 1024 : i32
          %ge3A_400 = arith.cmpi sge, %sub3A_398, %ge3A_399 : i32
          %and3A_401 = arith.andi %lt3A, %ge3A_400 : i1
          %convert_element_type3A_402 = arith.extui %and3A_401 : i1 to i32
          %cond3A_403 = arith.constant 0 : i32
          %cond3A_404 = arith.cmpi ne, %convert_element_type3A_402, %cond3A_403 : i32
          scf.if %cond3A_404 {
            %get3A_624 = arith.constant 0 : index
            %get3A_625 = arith.constant 0 : index
            %get3A_626 = vector.load %arg17[%get3A_624, %get3A_625] : memref<8x256xf32, #tpu.memory_space<vmem>>, vector<8x256xf32>
            %get3A_627 = arith.constant 0 : i32
            %get3A_628 = arith.constant 0 : i32
            %get3A_629 = arith.constant 0 : i32
            %get3A_630 = tpu.memref_slice %run_scoped3A[%rem3A_382, %get3A_627, %get3A_628, %get3A_629] : memref<2x1x1024x256xf32, #tpu.memory_space<vmem>> -> memref<1x1x1024x256xf32, #tpu.memory_space<vmem>>
            %get3A_631 = tpu.memref_squeeze %get3A_630 : memref<1x1x1024x256xf32, #tpu.memory_space<vmem>> -> memref<1x1024x256xf32, #tpu.memory_space<vmem>>
            %get3A_632 = arith.constant 0 : index
            %get3A_633 = arith.constant 0 : index
            %get3A_634 = arith.constant 0 : index
            %get3A_635 = vector.load %get3A_631[%get3A_632, %get3A_633, %get3A_634] : memref<1x1024x256xf32, #tpu.memory_space<vmem>>, vector<1x1024x256xf32>
            %get3A_636 = vector.shape_cast %get3A_635 : vector<1x1024x256xf32> to vector<1024x256xf32>
            %slice3A = vector.extract_strided_slice %get3A_636 {offsets = [0, 0], sizes = [512, 256], strides = [1, 1]} : vector<1024x256xf32> to vector<512x256xf32>
            %slice3A_637 = vector.extract_strided_slice %get3A_636 {offsets = [512, 0], sizes = [512, 256], strides = [1, 1]} : vector<1024x256xf32> to vector<512x256xf32>
            %add3A_638 = arith.addf %slice3A, %slice3A_637 : vector<512x256xf32>
            %slice3A_639 = vector.extract_strided_slice %add3A_638 {offsets = [0, 0], sizes = [256, 256], strides = [1, 1]} : vector<512x256xf32> to vector<256x256xf32>
            %slice3A_640 = vector.extract_strided_slice %add3A_638 {offsets = [256, 0], sizes = [256, 256], strides = [1, 1]} : vector<512x256xf32> to vector<256x256xf32>
            %add3A_641 = arith.addf %slice3A_639, %slice3A_640 : vector<256x256xf32>
            %slice3A_642 = vector.extract_strided_slice %add3A_641 {offsets = [0, 0], sizes = [128, 256], strides = [1, 1]} : vector<256x256xf32> to vector<128x256xf32>
            %slice3A_643 = vector.extract_strided_slice %add3A_641 {offsets = [128, 0], sizes = [128, 256], strides = [1, 1]} : vector<256x256xf32> to vector<128x256xf32>
            %add3A_644 = arith.addf %slice3A_642, %slice3A_643 : vector<128x256xf32>
            %slice3A_645 = vector.extract_strided_slice %add3A_644 {offsets = [0, 0], sizes = [64, 256], strides = [1, 1]} : vector<128x256xf32> to vector<64x256xf32>
            %slice3A_646 = vector.extract_strided_slice %add3A_644 {offsets = [64, 0], sizes = [64, 256], strides = [1, 1]} : vector<128x256xf32> to vector<64x256xf32>
            %add3A_647 = arith.addf %slice3A_645, %slice3A_646 : vector<64x256xf32>
            %slice3A_648 = vector.extract_strided_slice %add3A_647 {offsets = [0, 0], sizes = [32, 256], strides = [1, 1]} : vector<64x256xf32> to vector<32x256xf32>
            %slice3A_649 = vector.extract_strided_slice %add3A_647 {offsets = [32, 0], sizes = [32, 256], strides = [1, 1]} : vector<64x256xf32> to vector<32x256xf32>
            %add3A_650 = arith.addf %slice3A_648, %slice3A_649 : vector<32x256xf32>
            %slice3A_651 = vector.extract_strided_slice %add3A_650 {offsets = [0, 0], sizes = [16, 256], strides = [1, 1]} : vector<32x256xf32> to vector<16x256xf32>
            %slice3A_652 = vector.extract_strided_slice %add3A_650 {offsets = [16, 0], sizes = [16, 256], strides = [1, 1]} : vector<32x256xf32> to vector<16x256xf32>
            %add3A_653 = arith.addf %slice3A_651, %slice3A_652 : vector<16x256xf32>
            %slice3A_654 = vector.extract_strided_slice %add3A_653 {offsets = [0, 0], sizes = [8, 256], strides = [1, 1]} : vector<16x256xf32> to vector<8x256xf32>
            %slice3A_655 = vector.extract_strided_slice %add3A_653 {offsets = [8, 0], sizes = [8, 256], strides = [1, 1]} : vector<16x256xf32> to vector<8x256xf32>
            %add3A_656 = arith.addf %slice3A_654, %slice3A_655 : vector<8x256xf32>
            %add3A_657 = arith.addf %get3A_626, %add3A_656 : vector<8x256xf32>
            %swap3A_658 = arith.constant 0 : index
            %swap3A_659 = arith.constant 0 : index
            %swap3A_660 = vector.load %arg17[%swap3A_658, %swap3A_659] : memref<8x256xf32, #tpu.memory_space<vmem>>, vector<8x256xf32>
            tpu.vector_store %arg17[%swap3A_658, %swap3A_659], %add3A_657 {strides = array<i32>} : memref<8x256xf32, #tpu.memory_space<vmem>>, vector<8x256xf32>,
          } else {
          }
          %lt3A_405 = arith.cmpi slt, %get3A_386, %get3A_0 : i32
          %lt3A_406 = arith.constant 1024 : i32
          %lt3A_407 = arith.cmpi slt, %sub3A_398, %lt3A_406 : i32
          %and3A_408 = arith.andi %lt3A_405, %lt3A_407 : i1
          %convert_element_type3A_409 = arith.extui %and3A_408 : i1 to i32
          %cond3A_410 = arith.constant 0 : i32
          %cond3A_411 = arith.cmpi ne, %convert_element_type3A_409, %cond3A_410 : i32
          scf.if %cond3A_411 {
            %lt3A_624 = vector.broadcast %sub3A_398 : i32 to vector<1024x1xi32>
            %lt3A_625 = arith.cmpi slt, %iota3A, %lt3A_624 : vector<1024x1xi32>
            %get3A_626 = arith.constant 0 : i32
            %get3A_627 = arith.constant 0 : i32
            %get3A_628 = arith.constant 0 : i32
            %get3A_629 = tpu.memref_slice %run_scoped3A[%rem3A_382, %get3A_626, %get3A_627, %get3A_628] : memref<2x1x1024x256xf32, #tpu.memory_space<vmem>> -> memref<1x1x1024x256xf32, #tpu.memory_space<vmem>>
            %get3A_630 = tpu.memref_squeeze %get3A_629 : memref<1x1x1024x256xf32, #tpu.memory_space<vmem>> -> memref<1x1024x256xf32, #tpu.memory_space<vmem>>
            %get3A_631 = arith.constant 0 : index
            %get3A_632 = arith.constant 0 : index
            %get3A_633 = arith.constant 0 : index
            %get3A_634 = vector.load %get3A_630[%get3A_631, %get3A_632, %get3A_633] : memref<1x1024x256xf32, #tpu.memory_space<vmem>>, vector<1x1024x256xf32>
            %get3A_635 = vector.shape_cast %get3A_634 : vector<1x1024x256xf32> to vector<1024x256xf32>
            %jit3A = arith.constant 0.000000e+00 : f32
            %broadcast_in_dim3A_636 = vector.shape_cast %lt3A_625 : vector<1024x1xi1> to vector<1024x1xi1>
            %broadcast_in_dim3A_637 = vector.broadcast %broadcast_in_dim3A_636 : vector<1024x1xi1> to vector<1024x256xi1>
            %broadcast_in_dim3A_638 = vector.broadcast %jit3A : f32 to vector<1024x256xf32>
            %select_n3A_639 = arith.select %broadcast_in_dim3A_637, %get3A_635, %broadcast_in_dim3A_638 : vector<1024x256xi1>, vector<1024x256xf32>
            %get3A_640 = arith.constant 0 : index
            %get3A_641 = arith.constant 0 : index
            %get3A_642 = vector.load %arg17[%get3A_640, %get3A_641] : memref<8x256xf32, #tpu.memory_space<vmem>>, vector<8x256xf32>
            %slice3A = vector.extract_strided_slice %select_n3A_639 {offsets = [0, 0], sizes = [512, 256], strides = [1, 1]} : vector<1024x256xf32> to vector<512x256xf32>
            %slice3A_643 = vector.extract_strided_slice %select_n3A_639 {offsets = [512, 0], sizes = [512, 256], strides = [1, 1]} : vector<1024x256xf32> to vector<512x256xf32>
            %add3A_644 = arith.addf %slice3A, %slice3A_643 : vector<512x256xf32>
            %slice3A_645 = vector.extract_strided_slice %add3A_644 {offsets = [0, 0], sizes = [256, 256], strides = [1, 1]} : vector<512x256xf32> to vector<256x256xf32>
            %slice3A_646 = vector.extract_strided_slice %add3A_644 {offsets = [256, 0], sizes = [256, 256], strides = [1, 1]} : vector<512x256xf32> to vector<256x256xf32>
            %add3A_647 = arith.addf %slice3A_645, %slice3A_646 : vector<256x256xf32>
            %slice3A_648 = vector.extract_strided_slice %add3A_647 {offsets = [0, 0], sizes = [128, 256], strides = [1, 1]} : vector<256x256xf32> to vector<128x256xf32>
            %slice3A_649 = vector.extract_strided_slice %add3A_647 {offsets = [128, 0], sizes = [128, 256], strides = [1, 1]} : vector<256x256xf32> to vector<128x256xf32>
            %add3A_650 = arith.addf %slice3A_648, %slice3A_649 : vector<128x256xf32>
            %slice3A_651 = vector.extract_strided_slice %add3A_650 {offsets = [0, 0], sizes = [64, 256], strides = [1, 1]} : vector<128x256xf32> to vector<64x256xf32>
            %slice3A_652 = vector.extract_strided_slice %add3A_650 {offsets = [64, 0], sizes = [64, 256], strides = [1, 1]} : vector<128x256xf32> to vector<64x256xf32>
            %add3A_653 = arith.addf %slice3A_651, %slice3A_652 : vector<64x256xf32>
            %slice3A_654 = vector.extract_strided_slice %add3A_653 {offsets = [0, 0], sizes = [32, 256], strides = [1, 1]} : vector<64x256xf32> to vector<32x256xf32>
            %slice3A_655 = vector.extract_strided_slice %add3A_653 {offsets = [32, 0], sizes = [32, 256], strides = [1, 1]} : vector<64x256xf32> to vector<32x256xf32>
            %add3A_656 = arith.addf %slice3A_654, %slice3A_655 : vector<32x256xf32>
            %slice3A_657 = vector.extract_strided_slice %add3A_656 {offsets = [0, 0], sizes = [16, 256], strides = [1, 1]} : vector<32x256xf32> to vector<16x256xf32>
            %slice3A_658 = vector.extract_strided_slice %add3A_656 {offsets = [16, 0], sizes = [16, 256], strides = [1, 1]} : vector<32x256xf32> to vector<16x256xf32>
            %add3A_659 = arith.addf %slice3A_657, %slice3A_658 : vector<16x256xf32>
            %slice3A_660 = vector.extract_strided_slice %add3A_659 {offsets = [0, 0], sizes = [8, 256], strides = [1, 1]} : vector<16x256xf32> to vector<8x256xf32>
            %slice3A_661 = vector.extract_strided_slice %add3A_659 {offsets = [8, 0], sizes = [8, 256], strides = [1, 1]} : vector<16x256xf32> to vector<8x256xf32>
            %add3A_662 = arith.addf %slice3A_660, %slice3A_661 : vector<8x256xf32>
            %add3A_663 = arith.addf %get3A_642, %add3A_662 : vector<8x256xf32>
            %swap3A_664 = arith.constant 0 : index
            %swap3A_665 = arith.constant 0 : index
            %swap3A_666 = vector.load %arg17[%swap3A_664, %swap3A_665] : memref<8x256xf32, #tpu.memory_space<vmem>>, vector<8x256xf32>
            tpu.vector_store %arg17[%swap3A_664, %swap3A_665], %add3A_663 {strides = array<i32>} : memref<8x256xf32, #tpu.memory_space<vmem>>, vector<8x256xf32>,
          } else {
          }
          %lt3A_412 = arith.cmpi slt, %get3A_386, %get3A_0 : i32
          %le3A = arith.constant 1024 : i32
          %le3A_413 = arith.cmpi sle, %sub3A_398, %le3A : i32
          %and3A_414 = arith.andi %lt3A_412, %le3A_413 : i1
          %convert_element_type3A_415 = arith.extui %and3A_414 : i1 to i32
          %cond3A_416 = arith.constant 0 : i32
          %cond3A_417 = arith.cmpi ne, %convert_element_type3A_415, %cond3A_416 : i32
          scf.if %cond3A_417 {
            %get3A_624 = arith.constant 0 : index
            %get3A_625 = arith.constant 0 : index
            %get3A_626 = vector.load %arg17[%get3A_624, %get3A_625] : memref<8x256xf32, #tpu.memory_space<vmem>>, vector<8x256xf32>
            %reduce_sum3A = arith.constant dense<0.000000e+00> : vector<256xf32>
            %reduce_sum3A_627 = vector.multi_reduction <add>, %get3A_626, %reduce_sum3A [0] : vector<8x256xf32> to vector<256xf32>
            %broadcast_in_dim3A_628 = vector.shape_cast %reduce_sum3A_627 : vector<256xf32> to vector<1x256xf32>
            %swap3A_629 = arith.index_cast %get3A_391 : i32 to index
            %swap3A_630 = arith.constant 0 : index
            %swap3A_631 = vector.load %arg19[%swap3A_629, %swap3A_630] : memref<16x256xf32, #tpu.memory_space<vmem>>, vector<1x256xf32>
            tpu.vector_store %arg19[%swap3A_629, %swap3A_630], %broadcast_in_dim3A_628 {strides = array<i32>} : memref<16x256xf32, #tpu.memory_space<vmem>>, vector<1x256xf32>,
            %broadcast_in_dim3A_632 = arith.constant 0.000000e+00 : f32
            %broadcast_in_dim3A_633 = vector.broadcast %broadcast_in_dim3A_632 : f32 to vector<8x256xf32>
            %swap3A_634 = arith.constant 0 : index
            %swap3A_635 = arith.constant 0 : index
            %swap3A_636 = vector.load %arg17[%swap3A_634, %swap3A_635] : memref<8x256xf32, #tpu.memory_space<vmem>>, vector<8x256xf32>
            tpu.vector_store %arg17[%swap3A_634, %swap3A_635], %broadcast_in_dim3A_633 {strides = array<i32>} : memref<8x256xf32, #tpu.memory_space<vmem>>, vector<8x256xf32>,
          } else {
          }
          %sub3A_418 = arith.constant 1 : i32
          %sub3A_419 = arith.subi %get3A_2, %sub3A_418 : i32
          %min3A_420 = arith.minsi %get3A_386, %sub3A_419 : i32
          %get3A_421 = arith.index_cast %min3A_420 : i32 to index
          %get3A_422 = memref.load %arg3[%get3A_421] : memref<64xi32, #tpu.memory_space<smem>>
          %get3A_423 = arith.index_cast %min3A_420 : i32 to index
          %get3A_424 = memref.load %arg4[%get3A_423] : memref<64xi32, #tpu.memory_space<smem>>
          %get3A_425 = arith.index_cast %get3A_422 : i32 to index
          %get3A_426 = memref.load %arg7[%get3A_425] : memref<16xi32, #tpu.memory_space<smem>>
          %mul3A_427 = arith.constant 1024 : i32
          %mul3A_428 = arith.muli %get3A_424, %mul3A_427 : i32
          %sub3A_429 = arith.subi %get3A_426, %mul3A_428 : i32
          %lt3A_430 = arith.cmpi slt, %get3A_386, %get3A_2 : i32
          %ge3A_431 = arith.constant 1024 : i32
          %ge3A_432 = arith.cmpi sge, %sub3A_429, %ge3A_431 : i32
          %and3A_433 = arith.andi %lt3A_430, %ge3A_432 : i1
          %convert_element_type3A_434 = arith.extui %and3A_433 : i1 to i32
          %cond3A_435 = arith.constant 0 : i32
          %cond3A_436 = arith.cmpi ne, %convert_element_type3A_434, %cond3A_435 : i32
          scf.if %cond3A_436 {
            %get3A_624 = arith.constant 0 : index
            %get3A_625 = arith.constant 0 : index
            %get3A_626 = vector.load %arg18[%get3A_624, %get3A_625] : memref<8x256xf32, #tpu.memory_space<vmem>>, vector<8x256xf32>
            %get3A_627 = arith.constant 0 : i32
            %get3A_628 = arith.constant 0 : i32
            %get3A_629 = arith.constant 0 : i32
            %get3A_630 = tpu.memref_slice %run_scoped3A_56[%rem3A_384, %get3A_627, %get3A_628, %get3A_629] : memref<2x1x1024x256xf32, #tpu.memory_space<vmem>> -> memref<1x1x1024x256xf32, #tpu.memory_space<vmem>>
            %get3A_631 = tpu.memref_squeeze %get3A_630 : memref<1x1x1024x256xf32, #tpu.memory_space<vmem>> -> memref<1x1024x256xf32, #tpu.memory_space<vmem>>
            %get3A_632 = arith.constant 0 : index
            %get3A_633 = arith.constant 0 : index
            %get3A_634 = arith.constant 0 : index
            %get3A_635 = vector.load %get3A_631[%get3A_632, %get3A_633, %get3A_634] : memref<1x1024x256xf32, #tpu.memory_space<vmem>>, vector<1x1024x256xf32>
            %get3A_636 = vector.shape_cast %get3A_635 : vector<1x1024x256xf32> to vector<1024x256xf32>
            %slice3A = vector.extract_strided_slice %get3A_636 {offsets = [0, 0], sizes = [512, 256], strides = [1, 1]} : vector<1024x256xf32> to vector<512x256xf32>
            %slice3A_637 = vector.extract_strided_slice %get3A_636 {offsets = [512, 0], sizes = [512, 256], strides = [1, 1]} : vector<1024x256xf32> to vector<512x256xf32>
            %add3A_638 = arith.addf %slice3A, %slice3A_637 : vector<512x256xf32>
            %slice3A_639 = vector.extract_strided_slice %add3A_638 {offsets = [0, 0], sizes = [256, 256], strides = [1, 1]} : vector<512x256xf32> to vector<256x256xf32>
            %slice3A_640 = vector.extract_strided_slice %add3A_638 {offsets = [256, 0], sizes = [256, 256], strides = [1, 1]} : vector<512x256xf32> to vector<256x256xf32>
            %add3A_641 = arith.addf %slice3A_639, %slice3A_640 : vector<256x256xf32>
            %slice3A_642 = vector.extract_strided_slice %add3A_641 {offsets = [0, 0], sizes = [128, 256], strides = [1, 1]} : vector<256x256xf32> to vector<128x256xf32>
            %slice3A_643 = vector.extract_strided_slice %add3A_641 {offsets = [128, 0], sizes = [128, 256], strides = [1, 1]} : vector<256x256xf32> to vector<128x256xf32>
            %add3A_644 = arith.addf %slice3A_642, %slice3A_643 : vector<128x256xf32>
            %slice3A_645 = vector.extract_strided_slice %add3A_644 {offsets = [0, 0], sizes = [64, 256], strides = [1, 1]} : vector<128x256xf32> to vector<64x256xf32>
            %slice3A_646 = vector.extract_strided_slice %add3A_644 {offsets = [64, 0], sizes = [64, 256], strides = [1, 1]} : vector<128x256xf32> to vector<64x256xf32>
            %add3A_647 = arith.addf %slice3A_645, %slice3A_646 : vector<64x256xf32>
            %slice3A_648 = vector.extract_strided_slice %add3A_647 {offsets = [0, 0], sizes = [32, 256], strides = [1, 1]} : vector<64x256xf32> to vector<32x256xf32>
            %slice3A_649 = vector.extract_strided_slice %add3A_647 {offsets = [32, 0], sizes = [32, 256], strides = [1, 1]} : vector<64x256xf32> to vector<32x256xf32>
            %add3A_650 = arith.addf %slice3A_648, %slice3A_649 : vector<32x256xf32>
            %slice3A_651 = vector.extract_strided_slice %add3A_650 {offsets = [0, 0], sizes = [16, 256], strides = [1, 1]} : vector<32x256xf32> to vector<16x256xf32>
            %slice3A_652 = vector.extract_strided_slice %add3A_650 {offsets = [16, 0], sizes = [16, 256], strides = [1, 1]} : vector<32x256xf32> to vector<16x256xf32>
            %add3A_653 = arith.addf %slice3A_651, %slice3A_652 : vector<16x256xf32>
            %slice3A_654 = vector.extract_strided_slice %add3A_653 {offsets = [0, 0], sizes = [8, 256], strides = [1, 1]} : vector<16x256xf32> to vector<8x256xf32>
            %slice3A_655 = vector.extract_strided_slice %add3A_653 {offsets = [8, 0], sizes = [8, 256], strides = [1, 1]} : vector<16x256xf32> to vector<8x256xf32>
            %add3A_656 = arith.addf %slice3A_654, %slice3A_655 : vector<8x256xf32>
            %add3A_657 = arith.addf %get3A_626, %add3A_656 : vector<8x256xf32>
            %swap3A_658 = arith.constant 0 : index
            %swap3A_659 = arith.constant 0 : index
            %swap3A_660 = vector.load %arg18[%swap3A_658, %swap3A_659] : memref<8x256xf32, #tpu.memory_space<vmem>>, vector<8x256xf32>
            tpu.vector_store %arg18[%swap3A_658, %swap3A_659], %add3A_657 {strides = array<i32>} : memref<8x256xf32, #tpu.memory_space<vmem>>, vector<8x256xf32>,
          } else {
          }
          %lt3A_437 = arith.cmpi slt, %get3A_386, %get3A_2 : i32
          %lt3A_438 = arith.constant 1024 : i32
          %lt3A_439 = arith.cmpi slt, %sub3A_429, %lt3A_438 : i32
          %and3A_440 = arith.andi %lt3A_437, %lt3A_439 : i1
          %convert_element_type3A_441 = arith.extui %and3A_440 : i1 to i32
          %cond3A_442 = arith.constant 0 : i32
          %cond3A_443 = arith.cmpi ne, %convert_element_type3A_441, %cond3A_442 : i32
          scf.if %cond3A_443 {
            %lt3A_624 = vector.broadcast %sub3A_429 : i32 to vector<1024x1xi32>
            %lt3A_625 = arith.cmpi slt, %iota3A, %lt3A_624 : vector<1024x1xi32>
            %get3A_626 = arith.constant 0 : i32
            %get3A_627 = arith.constant 0 : i32
            %get3A_628 = arith.constant 0 : i32
            %get3A_629 = tpu.memref_slice %run_scoped3A_56[%rem3A_384, %get3A_626, %get3A_627, %get3A_628] : memref<2x1x1024x256xf32, #tpu.memory_space<vmem>> -> memref<1x1x1024x256xf32, #tpu.memory_space<vmem>>
            %get3A_630 = tpu.memref_squeeze %get3A_629 : memref<1x1x1024x256xf32, #tpu.memory_space<vmem>> -> memref<1x1024x256xf32, #tpu.memory_space<vmem>>
            %get3A_631 = arith.constant 0 : index
            %get3A_632 = arith.constant 0 : index
            %get3A_633 = arith.constant 0 : index
            %get3A_634 = vector.load %get3A_630[%get3A_631, %get3A_632, %get3A_633] : memref<1x1024x256xf32, #tpu.memory_space<vmem>>, vector<1x1024x256xf32>
            %get3A_635 = vector.shape_cast %get3A_634 : vector<1x1024x256xf32> to vector<1024x256xf32>
            %jit3A = arith.constant 0.000000e+00 : f32
            %broadcast_in_dim3A_636 = vector.shape_cast %lt3A_625 : vector<1024x1xi1> to vector<1024x1xi1>
            %broadcast_in_dim3A_637 = vector.broadcast %broadcast_in_dim3A_636 : vector<1024x1xi1> to vector<1024x256xi1>
            %broadcast_in_dim3A_638 = vector.broadcast %jit3A : f32 to vector<1024x256xf32>
            %select_n3A_639 = arith.select %broadcast_in_dim3A_637, %get3A_635, %broadcast_in_dim3A_638 : vector<1024x256xi1>, vector<1024x256xf32>
            %get3A_640 = arith.constant 0 : index
            %get3A_641 = arith.constant 0 : index
            %get3A_642 = vector.load %arg18[%get3A_640, %get3A_641] : memref<8x256xf32, #tpu.memory_space<vmem>>, vector<8x256xf32>
            %slice3A = vector.extract_strided_slice %select_n3A_639 {offsets = [0, 0], sizes = [512, 256], strides = [1, 1]} : vector<1024x256xf32> to vector<512x256xf32>
            %slice3A_643 = vector.extract_strided_slice %select_n3A_639 {offsets = [512, 0], sizes = [512, 256], strides = [1, 1]} : vector<1024x256xf32> to vector<512x256xf32>
            %add3A_644 = arith.addf %slice3A, %slice3A_643 : vector<512x256xf32>
            %slice3A_645 = vector.extract_strided_slice %add3A_644 {offsets = [0, 0], sizes = [256, 256], strides = [1, 1]} : vector<512x256xf32> to vector<256x256xf32>
            %slice3A_646 = vector.extract_strided_slice %add3A_644 {offsets = [256, 0], sizes = [256, 256], strides = [1, 1]} : vector<512x256xf32> to vector<256x256xf32>
            %add3A_647 = arith.addf %slice3A_645, %slice3A_646 : vector<256x256xf32>
            %slice3A_648 = vector.extract_strided_slice %add3A_647 {offsets = [0, 0], sizes = [128, 256], strides = [1, 1]} : vector<256x256xf32> to vector<128x256xf32>
            %slice3A_649 = vector.extract_strided_slice %add3A_647 {offsets = [128, 0], sizes = [128, 256], strides = [1, 1]} : vector<256x256xf32> to vector<128x256xf32>
            %add3A_650 = arith.addf %slice3A_648, %slice3A_649 : vector<128x256xf32>
            %slice3A_651 = vector.extract_strided_slice %add3A_650 {offsets = [0, 0], sizes = [64, 256], strides = [1, 1]} : vector<128x256xf32> to vector<64x256xf32>
            %slice3A_652 = vector.extract_strided_slice %add3A_650 {offsets = [64, 0], sizes = [64, 256], strides = [1, 1]} : vector<128x256xf32> to vector<64x256xf32>
            %add3A_653 = arith.addf %slice3A_651, %slice3A_652 : vector<64x256xf32>
            %slice3A_654 = vector.extract_strided_slice %add3A_653 {offsets = [0, 0], sizes = [32, 256], strides = [1, 1]} : vector<64x256xf32> to vector<32x256xf32>
            %slice3A_655 = vector.extract_strided_slice %add3A_653 {offsets = [32, 0], sizes = [32, 256], strides = [1, 1]} : vector<64x256xf32> to vector<32x256xf32>
            %add3A_656 = arith.addf %slice3A_654, %slice3A_655 : vector<32x256xf32>
            %slice3A_657 = vector.extract_strided_slice %add3A_656 {offsets = [0, 0], sizes = [16, 256], strides = [1, 1]} : vector<32x256xf32> to vector<16x256xf32>
            %slice3A_658 = vector.extract_strided_slice %add3A_656 {offsets = [16, 0], sizes = [16, 256], strides = [1, 1]} : vector<32x256xf32> to vector<16x256xf32>
            %add3A_659 = arith.addf %slice3A_657, %slice3A_658 : vector<16x256xf32>
            %slice3A_660 = vector.extract_strided_slice %add3A_659 {offsets = [0, 0], sizes = [8, 256], strides = [1, 1]} : vector<16x256xf32> to vector<8x256xf32>
            %slice3A_661 = vector.extract_strided_slice %add3A_659 {offsets = [8, 0], sizes = [8, 256], strides = [1, 1]} : vector<16x256xf32> to vector<8x256xf32>
            %add3A_662 = arith.addf %slice3A_660, %slice3A_661 : vector<8x256xf32>
            %add3A_663 = arith.addf %get3A_642, %add3A_662 : vector<8x256xf32>
            %swap3A_664 = arith.constant 0 : index
            %swap3A_665 = arith.constant 0 : index
            %swap3A_666 = vector.load %arg18[%swap3A_664, %swap3A_665] : memref<8x256xf32, #tpu.memory_space<vmem>>, vector<8x256xf32>
            tpu.vector_store %arg18[%swap3A_664, %swap3A_665], %add3A_663 {strides = array<i32>} : memref<8x256xf32, #tpu.memory_space<vmem>>, vector<8x256xf32>,
          } else {
          }
          %lt3A_444 = arith.cmpi slt, %get3A_386, %get3A_2 : i32
          %le3A_445 = arith.constant 1024 : i32
          %le3A_446 = arith.cmpi sle, %sub3A_429, %le3A_445 : i32
          %and3A_447 = arith.andi %lt3A_444, %le3A_446 : i1
          %convert_element_type3A_448 = arith.extui %and3A_447 : i1 to i32
          %cond3A_449 = arith.constant 0 : i32
          %cond3A_450 = arith.cmpi ne, %convert_element_type3A_448, %cond3A_449 : i32
          scf.if %cond3A_450 {
            %get3A_624 = arith.constant 0 : index
            %get3A_625 = arith.constant 0 : index
            %get3A_626 = vector.load %arg18[%get3A_624, %get3A_625] : memref<8x256xf32, #tpu.memory_space<vmem>>, vector<8x256xf32>
            %reduce_sum3A = arith.constant dense<0.000000e+00> : vector<256xf32>
            %reduce_sum3A_627 = vector.multi_reduction <add>, %get3A_626, %reduce_sum3A [0] : vector<8x256xf32> to vector<256xf32>
            %broadcast_in_dim3A_628 = vector.shape_cast %reduce_sum3A_627 : vector<256xf32> to vector<1x256xf32>
            %swap3A_629 = arith.index_cast %get3A_422 : i32 to index
            %swap3A_630 = arith.constant 0 : index
            %swap3A_631 = vector.load %arg20[%swap3A_629, %swap3A_630] : memref<16x256xf32, #tpu.memory_space<vmem>>, vector<1x256xf32>
            tpu.vector_store %arg20[%swap3A_629, %swap3A_630], %broadcast_in_dim3A_628 {strides = array<i32>} : memref<16x256xf32, #tpu.memory_space<vmem>>, vector<1x256xf32>,
            %broadcast_in_dim3A_632 = arith.constant 0.000000e+00 : f32
            %broadcast_in_dim3A_633 = vector.broadcast %broadcast_in_dim3A_632 : f32 to vector<8x256xf32>
            %swap3A_634 = arith.constant 0 : index
            %swap3A_635 = arith.constant 0 : index
            %swap3A_636 = vector.load %arg18[%swap3A_634, %swap3A_635] : memref<8x256xf32, #tpu.memory_space<vmem>>, vector<8x256xf32>
            tpu.vector_store %arg18[%swap3A_634, %swap3A_635], %broadcast_in_dim3A_633 {strides = array<i32>} : memref<8x256xf32, #tpu.memory_space<vmem>>, vector<8x256xf32>,
          } else {
          }
          %add3A_451 = arith.constant 1 : i32
          %add3A_452 = arith.addi %get3A_386, %add3A_451 : i32
          %swap3A_453 = arith.constant 0 : index
          %swap3A_454 = memref.load %arg21[%swap3A_453] : memref<1xi32, #tpu.memory_space<smem>>
          memref.store %add3A_452, %arg21[%swap3A_453] : memref<1xi32, #tpu.memory_space<smem>>
          "tpu.trace_stop"() : () -> ()
          %sub3A_455 = arith.constant 1 : i32
          %sub3A_456 = arith.subi %get3A_0, %sub3A_455 : i32
          %min3A_457 = arith.minsi %add3A_232, %sub3A_456 : i32
          %get3A_458 = arith.index_cast %min3A_457 : i32 to index
          %get3A_459 = memref.load %arg1[%get3A_458] : memref<64xi32, #tpu.memory_space<smem>>
          %get3A_460 = arith.index_cast %min3A_457 : i32 to index
          %get3A_461 = memref.load %arg2[%get3A_460] : memref<64xi32, #tpu.memory_space<smem>>
          %sub3A_462 = arith.constant 1 : i32
          %sub3A_463 = arith.subi %get3A_0, %sub3A_462 : i32
          %min3A_464 = arith.minsi %add3A_252, %sub3A_463 : i32
          %get3A_465 = arith.index_cast %min3A_464 : i32 to index
          %get3A_466 = memref.load %arg1[%get3A_465] : memref<64xi32, #tpu.memory_space<smem>>
          %get3A_467 = arith.index_cast %min3A_464 : i32 to index
          %get3A_468 = memref.load %arg2[%get3A_467] : memref<64xi32, #tpu.memory_space<smem>>
          %ne3A_469 = arith.cmpi ne, %get3A_459, %get3A_466 : i32
          %ne3A_470 = arith.cmpi ne, %get3A_461, %get3A_468 : i32
          %or3A_471 = arith.constant false
          %or3A_472 = arith.ori %or3A_471, %ne3A_469 : i1
          %or3A_473 = arith.ori %or3A_472, %ne3A_470 : i1
          %or3A_474 = arith.constant false
          %or3A_475 = arith.ori %or3A_473, %or3A_474 : i1
          %or3A_476 = arith.ori %or3A_475, %eq3A_230 : i1
          %convert_element_type3A_477 = arith.extui %or3A_476 : i1 to i32
          %cond3A_478 = arith.constant 0 : i32
          %cond3A_479 = arith.cmpi ne, %convert_element_type3A_477, %cond3A_478 : i32
          scf.if %cond3A_479 {
          } else {
          }
          %and3A_480 = arith.constant false
          %and3A_481 = arith.andi %or3A_476, %and3A_480 : i1
          %sub3A_482 = arith.constant 1 : i32
          %sub3A_483 = arith.subi %get3A_2, %sub3A_482 : i32
          %min3A_484 = arith.minsi %add3A_232, %sub3A_483 : i32
          %get3A_485 = arith.index_cast %min3A_484 : i32 to index
          %get3A_486 = memref.load %arg3[%get3A_485] : memref<64xi32, #tpu.memory_space<smem>>
          %get3A_487 = arith.index_cast %min3A_484 : i32 to index
          %get3A_488 = memref.load %arg4[%get3A_487] : memref<64xi32, #tpu.memory_space<smem>>
          %sub3A_489 = arith.constant 1 : i32
          %sub3A_490 = arith.subi %get3A_2, %sub3A_489 : i32
          %min3A_491 = arith.minsi %add3A_252, %sub3A_490 : i32
          %get3A_492 = arith.index_cast %min3A_491 : i32 to index
          %get3A_493 = memref.load %arg3[%get3A_492] : memref<64xi32, #tpu.memory_space<smem>>
          %get3A_494 = arith.index_cast %min3A_491 : i32 to index
          %get3A_495 = memref.load %arg4[%get3A_494] : memref<64xi32, #tpu.memory_space<smem>>
          %ne3A_496 = arith.cmpi ne, %get3A_486, %get3A_493 : i32
          %ne3A_497 = arith.cmpi ne, %get3A_488, %get3A_495 : i32
          %or3A_498 = arith.constant false
          %or3A_499 = arith.ori %or3A_498, %ne3A_496 : i1
          %or3A_500 = arith.ori %or3A_499, %ne3A_497 : i1
          %or3A_501 = arith.constant false
          %or3A_502 = arith.ori %or3A_500, %or3A_501 : i1
          %or3A_503 = arith.ori %or3A_502, %eq3A_230 : i1
          %convert_element_type3A_504 = arith.extui %or3A_503 : i1 to i32
          %cond3A_505 = arith.constant 0 : i32
          %cond3A_506 = arith.cmpi ne, %convert_element_type3A_504, %cond3A_505 : i32
          scf.if %cond3A_506 {
          } else {
          }
          %and3A_507 = arith.constant false
          %and3A_508 = arith.andi %or3A_503, %and3A_507 : i1
          %sub3A_509 = arith.constant 1 : i32
          %sub3A_510 = arith.subi %get3A_0, %sub3A_509 : i32
          %min3A_511 = arith.minsi %add3A_232, %sub3A_510 : i32
          %get3A_512 = arith.index_cast %min3A_511 : i32 to index
          %get3A_513 = memref.load %arg1[%get3A_512] : memref<64xi32, #tpu.memory_space<smem>>
          %get3A_514 = arith.index_cast %min3A_511 : i32 to index
          %get3A_515 = memref.load %arg2[%get3A_514] : memref<64xi32, #tpu.memory_space<smem>>
          %sub3A_516 = arith.constant 1 : i32
          %sub3A_517 = arith.subi %get3A_0, %sub3A_516 : i32
          %min3A_518 = arith.minsi %add3A_243, %sub3A_517 : i32
          %get3A_519 = arith.index_cast %min3A_518 : i32 to index
          %get3A_520 = memref.load %arg1[%get3A_519] : memref<64xi32, #tpu.memory_space<smem>>
          %get3A_521 = arith.index_cast %min3A_518 : i32 to index
          %get3A_522 = memref.load %arg2[%get3A_521] : memref<64xi32, #tpu.memory_space<smem>>
          %ne3A_523 = arith.cmpi ne, %get3A_513, %get3A_520 : i32
          %ne3A_524 = arith.cmpi ne, %get3A_515, %get3A_522 : i32
          %or3A_525 = arith.constant false
          %or3A_526 = arith.ori %or3A_525, %ne3A_523 : i1
          %or3A_527 = arith.ori %or3A_526, %ne3A_524 : i1
          %or3A_528 = arith.constant false
          %or3A_529 = arith.ori %or3A_527, %or3A_528 : i1
          %not3A_530 = arith.constant true
          %not3A_531 = arith.xori %eq3A_227, %not3A_530 : i1
          %and3A_532 = arith.andi %or3A_529, %not3A_531 : i1
          %convert_element_type3A_533 = arith.extui %and3A_532 : i1 to i32
          %cond3A_534 = arith.constant 0 : i32
          %cond3A_535 = arith.cmpi ne, %convert_element_type3A_533, %cond3A_534 : i32
          scf.if %cond3A_535 {
          } else {
          }
          %and3A_536 = arith.constant false
          %and3A_537 = arith.andi %and3A_532, %and3A_536 : i1
          %sub3A_538 = arith.constant 1 : i32
          %sub3A_539 = arith.subi %get3A_2, %sub3A_538 : i32
          %min3A_540 = arith.minsi %add3A_232, %sub3A_539 : i32
          %get3A_541 = arith.index_cast %min3A_540 : i32 to index
          %get3A_542 = memref.load %arg3[%get3A_541] : memref<64xi32, #tpu.memory_space<smem>>
          %get3A_543 = arith.index_cast %min3A_540 : i32 to index
          %get3A_544 = memref.load %arg4[%get3A_543] : memref<64xi32, #tpu.memory_space<smem>>
          %sub3A_545 = arith.constant 1 : i32
          %sub3A_546 = arith.subi %get3A_2, %sub3A_545 : i32
          %min3A_547 = arith.minsi %add3A_243, %sub3A_546 : i32
          %get3A_548 = arith.index_cast %min3A_547 : i32 to index
          %get3A_549 = memref.load %arg3[%get3A_548] : memref<64xi32, #tpu.memory_space<smem>>
          %get3A_550 = arith.index_cast %min3A_547 : i32 to index
          %get3A_551 = memref.load %arg4[%get3A_550] : memref<64xi32, #tpu.memory_space<smem>>
          %ne3A_552 = arith.cmpi ne, %get3A_542, %get3A_549 : i32
          %ne3A_553 = arith.cmpi ne, %get3A_544, %get3A_551 : i32
          %or3A_554 = arith.constant false
          %or3A_555 = arith.ori %or3A_554, %ne3A_552 : i1
          %or3A_556 = arith.ori %or3A_555, %ne3A_553 : i1
          %or3A_557 = arith.constant false
          %or3A_558 = arith.ori %or3A_556, %or3A_557 : i1
          %not3A_559 = arith.constant true
          %not3A_560 = arith.xori %eq3A_227, %not3A_559 : i1
          %and3A_561 = arith.andi %or3A_558, %not3A_560 : i1
          %convert_element_type3A_562 = arith.extui %and3A_561 : i1 to i32
          %cond3A_563 = arith.constant 0 : i32
          %cond3A_564 = arith.cmpi ne, %convert_element_type3A_562, %cond3A_563 : i32
          scf.if %cond3A_564 {
          } else {
          }
          %and3A_565 = arith.constant false
          %and3A_566 = arith.andi %and3A_561, %and3A_565 : i1
          %sub3A_567 = arith.constant 1 : i32
          %sub3A_568 = arith.subi %get3A_0, %sub3A_567 : i32
          %min3A_569 = arith.minsi %add3A_232, %sub3A_568 : i32
          %get3A_570 = arith.index_cast %min3A_569 : i32 to index
          %get3A_571 = memref.load %arg1[%get3A_570] : memref<64xi32, #tpu.memory_space<smem>>
          %get3A_572 = arith.index_cast %min3A_569 : i32 to index
          %get3A_573 = memref.load %arg2[%get3A_572] : memref<64xi32, #tpu.memory_space<smem>>
          %sub3A_574 = arith.constant 1 : i32
          %sub3A_575 = arith.subi %get3A_0, %sub3A_574 : i32
          %min3A_576 = arith.minsi %add3A_252, %sub3A_575 : i32
          %get3A_577 = arith.index_cast %min3A_576 : i32 to index
          %get3A_578 = memref.load %arg1[%get3A_577] : memref<64xi32, #tpu.memory_space<smem>>
          %get3A_579 = arith.index_cast %min3A_576 : i32 to index
          %get3A_580 = memref.load %arg2[%get3A_579] : memref<64xi32, #tpu.memory_space<smem>>
          %ne3A_581 = arith.cmpi ne, %get3A_571, %get3A_578 : i32
          %ne3A_582 = arith.cmpi ne, %get3A_573, %get3A_580 : i32
          %or3A_583 = arith.constant false
          %or3A_584 = arith.ori %or3A_583, %ne3A_581 : i1
          %or3A_585 = arith.ori %or3A_584, %ne3A_582 : i1
          %or3A_586 = arith.constant false
          %or3A_587 = arith.ori %or3A_585, %or3A_586 : i1
          %or3A_588 = arith.ori %or3A_587, %eq3A_230 : i1
          %add3A_589 = arith.constant 1 : i32
          %add3A_590 = arith.addi %while3A_220, %add3A_589 : i32
          %select_n3A_591 = arith.select %or3A_588, %add3A_590, %while3A_220 : i32
          %sub3A_592 = arith.constant 1 : i32
          %sub3A_593 = arith.subi %get3A_2, %sub3A_592 : i32
          %min3A_594 = arith.minsi %add3A_232, %sub3A_593 : i32
          %get3A_595 = arith.index_cast %min3A_594 : i32 to index
          %get3A_596 = memref.load %arg3[%get3A_595] : memref<64xi32, #tpu.memory_space<smem>>
          %get3A_597 = arith.index_cast %min3A_594 : i32 to index
          %get3A_598 = memref.load %arg4[%get3A_597] : memref<64xi32, #tpu.memory_space<smem>>
          %sub3A_599 = arith.constant 1 : i32
          %sub3A_600 = arith.subi %get3A_2, %sub3A_599 : i32
          %min3A_601 = arith.minsi %add3A_252, %sub3A_600 : i32
          %get3A_602 = arith.index_cast %min3A_601 : i32 to index
          %get3A_603 = memref.load %arg3[%get3A_602] : memref<64xi32, #tpu.memory_space<smem>>
          %get3A_604 = arith.index_cast %min3A_601 : i32 to index
          %get3A_605 = memref.load %arg4[%get3A_604] : memref<64xi32, #tpu.memory_space<smem>>
          %ne3A_606 = arith.cmpi ne, %get3A_596, %get3A_603 : i32
          %ne3A_607 = arith.cmpi ne, %get3A_598, %get3A_605 : i32
          %or3A_608 = arith.constant false
          %or3A_609 = arith.ori %or3A_608, %ne3A_606 : i1
          %or3A_610 = arith.ori %or3A_609, %ne3A_607 : i1
          %or3A_611 = arith.constant false
          %or3A_612 = arith.ori %or3A_610, %or3A_611 : i1
          %or3A_613 = arith.ori %or3A_612, %eq3A_230 : i1
          %add3A_614 = arith.constant 1 : i32
          %add3A_615 = arith.addi %while3A_222, %add3A_614 : i32
          %select_n3A_616 = arith.select %or3A_613, %add3A_615, %while3A_222 : i32
          %add3A_617 = arith.constant 1 : i32
          %add3A_618 = arith.addi %while3A_223, %add3A_617 : i32
          %select_n3A_619 = arith.constant true
          %select_n3A_620 = arith.select %select_n3A_619, %add3A_618, %while3A_223 : i32
          %eq3A_621 = arith.cmpi eq, %select_n3A_620, %max3A : i32
          %select_n3A_622 = arith.constant 0 : i32
          %select_n3A_623 = arith.select %eq3A_621, %select_n3A_622, %select_n3A_620 : i32
          scf.yield %select_n3A_293, %select_n3A_591, %select_n3A_330, %select_n3A_616, %select_n3A_623 : i32, i32, i32, i32, i32
        }
        %while3A_161 = arith.constant 1 : i32
        %while3A_162:5 = scf.for %while3A_218 = %while3A_158 to %while3A_154 step %while3A_161 iter_args(%while3A_219 = %while3A_160#0, %while3A_220 = %while3A_160#1, %while3A_221 = %while3A_160#2, %while3A_222 = %while3A_160#3, %while3A_223 = %while3A_160#4) -> (i32, i32, i32, i32, i32)  : i32 {
          %mul3A_224 = arith.constant 1 : i32
          %mul3A_225 = arith.muli %mul3A_224, %max3A : i32
          %eq3A_226 = arith.constant 0 : i32
          %eq3A_227 = arith.cmpi eq, %while3A_218, %eq3A_226 : i32
          %sub3A_228 = arith.constant 1 : i32
          %sub3A_229 = arith.subi %mul3A_225, %sub3A_228 : i32
          %eq3A_230 = arith.cmpi eq, %while3A_218, %sub3A_229 : i32
          %add3A_231 = arith.constant 0 : i32
          %add3A_232 = arith.addi %while3A_223, %add3A_231 : i32
          %sub3A_233 = arith.constant 1 : i32
          %sub3A_234 = arith.subi %while3A_223, %sub3A_233 : i32
          %select_n3A_235 = arith.constant true
          %select_n3A_236 = arith.select %select_n3A_235, %sub3A_234, %while3A_223 : i32
          %eq3A_237 = arith.constant -1 : i32
          %eq3A_238 = arith.cmpi eq, %select_n3A_236, %eq3A_237 : i32
          %sub3A_239 = arith.constant 1 : i32
          %sub3A_240 = arith.subi %max3A, %sub3A_239 : i32
          %select_n3A_241 = arith.select %eq3A_238, %sub3A_240, %select_n3A_236 : i32
          %add3A_242 = arith.constant 0 : i32
          %add3A_243 = arith.addi %select_n3A_241, %add3A_242 : i32
          %add3A_244 = arith.constant 1 : i32
          %add3A_245 = arith.addi %while3A_223, %add3A_244 : i32
          %select_n3A_246 = arith.constant true
          %select_n3A_247 = arith.select %select_n3A_246, %add3A_245, %while3A_223 : i32
          %eq3A_248 = arith.cmpi eq, %select_n3A_247, %max3A : i32
          %select_n3A_249 = arith.constant 0 : i32
          %select_n3A_250 = arith.select %eq3A_248, %select_n3A_249, %select_n3A_247 : i32
          %add3A_251 = arith.constant 0 : i32
          %add3A_252 = arith.addi %select_n3A_250, %add3A_251 : i32
          %add3A_253 = arith.constant 1 : i32
          %add3A_254 = arith.addi %select_n3A_250, %add3A_253 : i32
          %select_n3A_255 = arith.constant true
          %select_n3A_256 = arith.select %select_n3A_255, %add3A_254, %select_n3A_250 : i32
          %eq3A_257 = arith.cmpi eq, %select_n3A_256, %max3A : i32
          %select_n3A_258 = arith.constant 0 : i32
          %select_n3A_259 = arith.select %eq3A_257, %select_n3A_258, %select_n3A_256 : i32
          %add3A_260 = arith.constant 0 : i32
          %add3A_261 = arith.addi %select_n3A_259, %add3A_260 : i32
          %sub3A_262 = arith.constant 1 : i32
          %sub3A_263 = arith.subi %get3A_0, %sub3A_262 : i32
          %min3A_264 = arith.minsi %add3A_232, %sub3A_263 : i32
          %get3A_265 = arith.index_cast %min3A_264 : i32 to index
          %get3A_266 = memref.load %arg1[%get3A_265] : memref<64xi32, #tpu.memory_space<smem>>
          %get3A_267 = arith.index_cast %min3A_264 : i32 to index
          %get3A_268 = memref.load %arg2[%get3A_267] : memref<64xi32, #tpu.memory_space<smem>>
          %sub3A_269 = arith.constant 1 : i32
          %sub3A_270 = arith.subi %get3A_0, %sub3A_269 : i32
          %min3A_271 = arith.minsi %add3A_252, %sub3A_270 : i32
          %get3A_272 = arith.index_cast %min3A_271 : i32 to index
          %get3A_273 = memref.load %arg1[%get3A_272] : memref<64xi32, #tpu.memory_space<smem>>
          %get3A_274 = arith.index_cast %min3A_271 : i32 to index
          %get3A_275 = memref.load %arg2[%get3A_274] : memref<64xi32, #tpu.memory_space<smem>>
          %ne3A = arith.cmpi ne, %get3A_266, %get3A_273 : i32
          %ne3A_276 = arith.cmpi ne, %get3A_268, %get3A_275 : i32
          %or3A = arith.constant false
          %or3A_277 = arith.ori %or3A, %ne3A : i1
          %or3A_278 = arith.ori %or3A_277, %ne3A_276 : i1
          %or3A_279 = arith.constant false
          %or3A_280 = arith.ori %or3A_278, %or3A_279 : i1
          %sub3A_281 = arith.constant 2 : i32
          %sub3A_282 = arith.subi %mul3A_225, %sub3A_281 : i32
          %add3A_283 = arith.constant 1 : i32
          %add3A_284 = arith.addi %sub3A_282, %add3A_283 : i32
          %ge3A = arith.cmpi sge, %while3A_218, %add3A_284 : i32
          %not3A = arith.constant true
          %not3A_285 = arith.xori %ge3A, %not3A : i1
          %and3A = arith.andi %or3A_280, %not3A_285 : i1
          %convert_element_type3A_286 = arith.extui %and3A : i1 to i32
          %cond3A_287 = arith.constant 0 : i32
          %cond3A_288 = arith.cmpi ne, %convert_element_type3A_286, %cond3A_287 : i32
          scf.if %cond3A_288 {
            "tpu.trace_start"() <{level = 10 : i32, message = "ep_copy_in"}> : () -> ()
            %rem3A_624 = arith.constant 2 : i32
            %rem3A_625 = arith.remui %while3A_219, %rem3A_624 : i32
            %sub3A_626 = arith.constant 1 : i32
            %sub3A_627 = arith.subi %get3A_0, %sub3A_626 : i32
            %min3A_628 = arith.minsi %add3A_252, %sub3A_627 : i32
            %get3A_629 = arith.index_cast %min3A_628 : i32 to index
            %get3A_630 = memref.load %arg1[%get3A_629] : memref<64xi32, #tpu.memory_space<smem>>
            %get3A_631 = arith.index_cast %min3A_628 : i32 to index
            %get3A_632 = memref.load %arg2[%get3A_631] : memref<64xi32, #tpu.memory_space<smem>>
            %mul3A_633 = arith.constant 1 : i32
            %mul3A_634 = arith.muli %mul3A_633, %get3A_630 : i32
            %mul3A_635 = arith.constant 1024 : i32
            %mul3A_636 = arith.muli %mul3A_635, %get3A_632 : i32
            %dma_start3A_637 = tpu.memref_slice %run_scoped3A_55[%rem3A_625] : memref<2x!tpu.dma_semaphore, #tpu.memory_space<semaphore_mem>> -> memref<1x!tpu.dma_semaphore, #tpu.memory_space<semaphore_mem>>
            %dma_start3A_638 = tpu.memref_squeeze %dma_start3A_637 : memref<1x!tpu.dma_semaphore, #tpu.memory_space<semaphore_mem>> -> memref<!tpu.dma_semaphore, #tpu.memory_space<semaphore_mem>>
            %dma_start3A_639 = arith.constant 0 : i32
            %dma_start3A_640 = arith.constant 0 : i32
            %dma_start3A_641 = arith.constant 0 : i32
            %dma_start3A_642 = tpu.memref_slice %run_scoped3A[%rem3A_625, %dma_start3A_639, %dma_start3A_640, %dma_start3A_641] : memref<2x1x1024x256xf32, #tpu.memory_space<vmem>> -> memref<1x1x1024x256xf32, #tpu.memory_space<vmem>>
            %dma_start3A_643 = tpu.memref_squeeze %dma_start3A_642 : memref<1x1x1024x256xf32, #tpu.memory_space<vmem>> -> memref<1x1024x256xf32, #tpu.memory_space<vmem>>
            %dma_start3A_644 = arith.constant 0 : i32
            %dma_start3A_645 = tpu.memref_slice %arg8[%mul3A_634, %mul3A_636, %dma_start3A_644] : memref<16x4096x256xf32, #tpu.memory_space<any>> -> memref<1x1024x256xf32, #tpu.memory_space<any>>
            tpu.enqueue_dma source(%dma_start3A_645 : memref<1x1024x256xf32, #tpu.memory_space<any>>) target(%dma_start3A_643 : memref<1x1024x256xf32, #tpu.memory_space<vmem>>) target_semaphore(%dma_start3A_638 : memref<!tpu.dma_semaphore, #tpu.memory_space<semaphore_mem>>)
            "tpu.trace_stop"() : () -> ()
          } else {
          }
          %and3A_289 = arith.constant true
          %and3A_290 = arith.andi %and3A, %and3A_289 : i1
          %add3A_291 = arith.constant 1 : i32
          %add3A_292 = arith.addi %while3A_219, %add3A_291 : i32
          %select_n3A_293 = arith.select %and3A_290, %add3A_292, %while3A_219 : i32
          %sub3A_294 = arith.constant 1 : i32
          %sub3A_295 = arith.subi %get3A_2, %sub3A_294 : i32
          %min3A_296 = arith.minsi %add3A_232, %sub3A_295 : i32
          %get3A_297 = arith.index_cast %min3A_296 : i32 to index
          %get3A_298 = memref.load %arg3[%get3A_297] : memref<64xi32, #tpu.memory_space<smem>>
          %get3A_299 = arith.index_cast %min3A_296 : i32 to index
          %get3A_300 = memref.load %arg4[%get3A_299] : memref<64xi32, #tpu.memory_space<smem>>
          %sub3A_301 = arith.constant 1 : i32
          %sub3A_302 = arith.subi %get3A_2, %sub3A_301 : i32
          %min3A_303 = arith.minsi %add3A_252, %sub3A_302 : i32
          %get3A_304 = arith.index_cast %min3A_303 : i32 to index
          %get3A_305 = memref.load %arg3[%get3A_304] : memref<64xi32, #tpu.memory_space<smem>>
          %get3A_306 = arith.index_cast %min3A_303 : i32 to index
          %get3A_307 = memref.load %arg4[%get3A_306] : memref<64xi32, #tpu.memory_space<smem>>
          %ne3A_308 = arith.cmpi ne, %get3A_298, %get3A_305 : i32
          %ne3A_309 = arith.cmpi ne, %get3A_300, %get3A_307 : i32
          %or3A_310 = arith.constant false
          %or3A_311 = arith.ori %or3A_310, %ne3A_308 : i1
          %or3A_312 = arith.ori %or3A_311, %ne3A_309 : i1
          %or3A_313 = arith.constant false
          %or3A_314 = arith.ori %or3A_312, %or3A_313 : i1
          %sub3A_315 = arith.constant 2 : i32
          %sub3A_316 = arith.subi %mul3A_225, %sub3A_315 : i32
          %add3A_317 = arith.constant 1 : i32
          %add3A_318 = arith.addi %sub3A_316, %add3A_317 : i32
          %ge3A_319 = arith.cmpi sge, %while3A_218, %add3A_318 : i32
          %not3A_320 = arith.constant true
          %not3A_321 = arith.xori %ge3A_319, %not3A_320 : i1
          %and3A_322 = arith.andi %or3A_314, %not3A_321 : i1
          %convert_element_type3A_323 = arith.extui %and3A_322 : i1 to i32
          %cond3A_324 = arith.constant 0 : i32
          %cond3A_325 = arith.cmpi ne, %convert_element_type3A_323, %cond3A_324 : i32
          scf.if %cond3A_325 {
            "tpu.trace_start"() <{level = 10 : i32, message = "ep_copy_in"}> : () -> ()
            %rem3A_624 = arith.constant 2 : i32
            %rem3A_625 = arith.remui %while3A_221, %rem3A_624 : i32
            %sub3A_626 = arith.constant 1 : i32
            %sub3A_627 = arith.subi %get3A_2, %sub3A_626 : i32
            %min3A_628 = arith.minsi %add3A_252, %sub3A_627 : i32
            %get3A_629 = arith.index_cast %min3A_628 : i32 to index
            %get3A_630 = memref.load %arg3[%get3A_629] : memref<64xi32, #tpu.memory_space<smem>>
            %get3A_631 = arith.index_cast %min3A_628 : i32 to index
            %get3A_632 = memref.load %arg4[%get3A_631] : memref<64xi32, #tpu.memory_space<smem>>
            %mul3A_633 = arith.constant 1 : i32
            %mul3A_634 = arith.muli %mul3A_633, %get3A_630 : i32
            %mul3A_635 = arith.constant 1024 : i32
            %mul3A_636 = arith.muli %mul3A_635, %get3A_632 : i32
            %dma_start3A_637 = tpu.memref_slice %run_scoped3A_57[%rem3A_625] : memref<2x!tpu.dma_semaphore, #tpu.memory_space<semaphore_mem>> -> memref<1x!tpu.dma_semaphore, #tpu.memory_space<semaphore_mem>>
            %dma_start3A_638 = tpu.memref_squeeze %dma_start3A_637 : memref<1x!tpu.dma_semaphore, #tpu.memory_space<semaphore_mem>> -> memref<!tpu.dma_semaphore, #tpu.memory_space<semaphore_mem>>
            %dma_start3A_639 = arith.constant 0 : i32
            %dma_start3A_640 = arith.constant 0 : i32
            %dma_start3A_641 = arith.constant 0 : i32
            %dma_start3A_642 = tpu.memref_slice %run_scoped3A_56[%rem3A_625, %dma_start3A_639, %dma_start3A_640, %dma_start3A_641] : memref<2x1x1024x256xf32, #tpu.memory_space<vmem>> -> memref<1x1x1024x256xf32, #tpu.memory_space<vmem>>
            %dma_start3A_643 = tpu.memref_squeeze %dma_start3A_642 : memref<1x1x1024x256xf32, #tpu.memory_space<vmem>> -> memref<1x1024x256xf32, #tpu.memory_space<vmem>>
            %dma_start3A_644 = arith.constant 0 : i32
            %dma_start3A_645 = tpu.memref_slice %arg9[%mul3A_634, %mul3A_636, %dma_start3A_644] : memref<16x4096x256xf32, #tpu.memory_space<any>> -> memref<1x1024x256xf32, #tpu.memory_space<any>>
            tpu.enqueue_dma source(%dma_start3A_645 : memref<1x1024x256xf32, #tpu.memory_space<any>>) target(%dma_start3A_643 : memref<1x1024x256xf32, #tpu.memory_space<vmem>>) target_semaphore(%dma_start3A_638 : memref<!tpu.dma_semaphore, #tpu.memory_space<semaphore_mem>>)
            "tpu.trace_stop"() : () -> ()
          } else {
          }
          %and3A_326 = arith.constant true
          %and3A_327 = arith.andi %and3A_322, %and3A_326 : i1
          %add3A_328 = arith.constant 1 : i32
          %add3A_329 = arith.addi %while3A_221, %add3A_328 : i32
          %select_n3A_330 = arith.select %and3A_327, %add3A_329, %while3A_221 : i32
          %sub3A_331 = arith.constant 1 : i32
          %sub3A_332 = arith.subi %get3A_0, %sub3A_331 : i32
          %min3A_333 = arith.minsi %add3A_232, %sub3A_332 : i32
          %get3A_334 = arith.index_cast %min3A_333 : i32 to index
          %get3A_335 = memref.load %arg1[%get3A_334] : memref<64xi32, #tpu.memory_space<smem>>
          %get3A_336 = arith.index_cast %min3A_333 : i32 to index
          %get3A_337 = memref.load %arg2[%get3A_336] : memref<64xi32, #tpu.memory_space<smem>>
          %sub3A_338 = arith.constant 1 : i32
          %sub3A_339 = arith.subi %get3A_0, %sub3A_338 : i32
          %min3A_340 = arith.minsi %add3A_243, %sub3A_339 : i32
          %get3A_341 = arith.index_cast %min3A_340 : i32 to index
          %get3A_342 = memref.load %arg1[%get3A_341] : memref<64xi32, #tpu.memory_space<smem>>
          %get3A_343 = arith.index_cast %min3A_340 : i32 to index
          %get3A_344 = memref.load %arg2[%get3A_343] : memref<64xi32, #tpu.memory_space<smem>>
          %ne3A_345 = arith.cmpi ne, %get3A_335, %get3A_342 : i32
          %ne3A_346 = arith.cmpi ne, %get3A_337, %get3A_344 : i32
          %or3A_347 = arith.constant false
          %or3A_348 = arith.ori %or3A_347, %ne3A_345 : i1
          %or3A_349 = arith.ori %or3A_348, %ne3A_346 : i1
          %or3A_350 = arith.constant false
          %or3A_351 = arith.ori %or3A_349, %or3A_350 : i1
          %or3A_352 = arith.ori %or3A_351, %eq3A_227 : i1
          %convert_element_type3A_353 = arith.extui %or3A_352 : i1 to i32
          %cond3A_354 = arith.constant 0 : i32
          %cond3A_355 = arith.cmpi ne, %convert_element_type3A_353, %cond3A_354 : i32
          scf.if %cond3A_355 {
            "tpu.trace_start"() <{level = 10 : i32, message = "ep_wait_in"}> : () -> ()
            %sub3A_624 = arith.constant 1 : i32
            %sub3A_625 = arith.subi %get3A_0, %sub3A_624 : i32
            %min3A_626 = arith.minsi %add3A_232, %sub3A_625 : i32
            %get3A_627 = arith.index_cast %min3A_626 : i32 to index
            %get3A_628 = memref.load %arg1[%get3A_627] : memref<64xi32, #tpu.memory_space<smem>>
            %get3A_629 = arith.index_cast %min3A_626 : i32 to index
            %get3A_630 = memref.load %arg2[%get3A_629] : memref<64xi32, #tpu.memory_space<smem>>
            %mul3A_631 = arith.constant 1 : i32
            %mul3A_632 = arith.muli %mul3A_631, %get3A_628 : i32
            %mul3A_633 = arith.constant 1024 : i32
            %mul3A_634 = arith.muli %mul3A_633, %get3A_630 : i32
            %rem3A_635 = arith.constant 2 : i32
            %rem3A_636 = arith.remui %while3A_220, %rem3A_635 : i32
            %dma_wait3A = tpu.memref_slice %run_scoped3A_55[%rem3A_636] : memref<2x!tpu.dma_semaphore, #tpu.memory_space<semaphore_mem>> -> memref<1x!tpu.dma_semaphore, #tpu.memory_space<semaphore_mem>>
            %dma_wait3A_637 = tpu.memref_squeeze %dma_wait3A : memref<1x!tpu.dma_semaphore, #tpu.memory_space<semaphore_mem>> -> memref<!tpu.dma_semaphore, #tpu.memory_space<semaphore_mem>>
            %dma_wait3A_638 = arith.constant 0 : i32
            %dma_wait3A_639 = arith.constant 0 : i32
            %dma_wait3A_640 = arith.constant 0 : i32
            %dma_wait3A_641 = tpu.memref_slice %run_scoped3A[%rem3A_636, %dma_wait3A_638, %dma_wait3A_639, %dma_wait3A_640] : memref<2x1x1024x256xf32, #tpu.memory_space<vmem>> -> memref<1x1x1024x256xf32, #tpu.memory_space<vmem>>
            %dma_wait3A_642 = tpu.memref_squeeze %dma_wait3A_641 : memref<1x1x1024x256xf32, #tpu.memory_space<vmem>> -> memref<1x1024x256xf32, #tpu.memory_space<vmem>>
            %dma_wait3A_643 = arith.constant 0 : i32
            %dma_wait3A_644 = tpu.memref_slice %arg8[%mul3A_632, %mul3A_634, %dma_wait3A_643] : memref<16x4096x256xf32, #tpu.memory_space<any>> -> memref<1x1024x256xf32, #tpu.memory_space<any>>
            tpu.wait_dma2 semaphore(%dma_wait3A_637 : memref<!tpu.dma_semaphore, #tpu.memory_space<semaphore_mem>>) src(%dma_wait3A_644 : memref<1x1024x256xf32, #tpu.memory_space<any>>) dst(%dma_wait3A_642 : memref<1x1024x256xf32, #tpu.memory_space<vmem>>)
            "tpu.trace_stop"() : () -> ()
          } else {
          }
          %sub3A_356 = arith.constant 1 : i32
          %sub3A_357 = arith.subi %get3A_2, %sub3A_356 : i32
          %min3A_358 = arith.minsi %add3A_232, %sub3A_357 : i32
          %get3A_359 = arith.index_cast %min3A_358 : i32 to index
          %get3A_360 = memref.load %arg3[%get3A_359] : memref<64xi32, #tpu.memory_space<smem>>
          %get3A_361 = arith.index_cast %min3A_358 : i32 to index
          %get3A_362 = memref.load %arg4[%get3A_361] : memref<64xi32, #tpu.memory_space<smem>>
          %sub3A_363 = arith.constant 1 : i32
          %sub3A_364 = arith.subi %get3A_2, %sub3A_363 : i32
          %min3A_365 = arith.minsi %add3A_243, %sub3A_364 : i32
          %get3A_366 = arith.index_cast %min3A_365 : i32 to index
          %get3A_367 = memref.load %arg3[%get3A_366] : memref<64xi32, #tpu.memory_space<smem>>
          %get3A_368 = arith.index_cast %min3A_365 : i32 to index
          %get3A_369 = memref.load %arg4[%get3A_368] : memref<64xi32, #tpu.memory_space<smem>>
          %ne3A_370 = arith.cmpi ne, %get3A_360, %get3A_367 : i32
          %ne3A_371 = arith.cmpi ne, %get3A_362, %get3A_369 : i32
          %or3A_372 = arith.constant false
          %or3A_373 = arith.ori %or3A_372, %ne3A_370 : i1
          %or3A_374 = arith.ori %or3A_373, %ne3A_371 : i1
          %or3A_375 = arith.constant false
          %or3A_376 = arith.ori %or3A_374, %or3A_375 : i1
          %or3A_377 = arith.ori %or3A_376, %eq3A_227 : i1
          %convert_element_type3A_378 = arith.extui %or3A_377 : i1 to i32
          %cond3A_379 = arith.constant 0 : i32
          %cond3A_380 = arith.cmpi ne, %convert_element_type3A_378, %cond3A_379 : i32
          scf.if %cond3A_380 {
            "tpu.trace_start"() <{level = 10 : i32, message = "ep_wait_in"}> : () -> ()
            %sub3A_624 = arith.constant 1 : i32
            %sub3A_625 = arith.subi %get3A_2, %sub3A_624 : i32
            %min3A_626 = arith.minsi %add3A_232, %sub3A_625 : i32
            %get3A_627 = arith.index_cast %min3A_626 : i32 to index
            %get3A_628 = memref.load %arg3[%get3A_627] : memref<64xi32, #tpu.memory_space<smem>>
            %get3A_629 = arith.index_cast %min3A_626 : i32 to index
            %get3A_630 = memref.load %arg4[%get3A_629] : memref<64xi32, #tpu.memory_space<smem>>
            %mul3A_631 = arith.constant 1 : i32
            %mul3A_632 = arith.muli %mul3A_631, %get3A_628 : i32
            %mul3A_633 = arith.constant 1024 : i32
            %mul3A_634 = arith.muli %mul3A_633, %get3A_630 : i32
            %rem3A_635 = arith.constant 2 : i32
            %rem3A_636 = arith.remui %while3A_222, %rem3A_635 : i32
            %dma_wait3A = tpu.memref_slice %run_scoped3A_57[%rem3A_636] : memref<2x!tpu.dma_semaphore, #tpu.memory_space<semaphore_mem>> -> memref<1x!tpu.dma_semaphore, #tpu.memory_space<semaphore_mem>>
            %dma_wait3A_637 = tpu.memref_squeeze %dma_wait3A : memref<1x!tpu.dma_semaphore, #tpu.memory_space<semaphore_mem>> -> memref<!tpu.dma_semaphore, #tpu.memory_space<semaphore_mem>>
            %dma_wait3A_638 = arith.constant 0 : i32
            %dma_wait3A_639 = arith.constant 0 : i32
            %dma_wait3A_640 = arith.constant 0 : i32
            %dma_wait3A_641 = tpu.memref_slice %run_scoped3A_56[%rem3A_636, %dma_wait3A_638, %dma_wait3A_639, %dma_wait3A_640] : memref<2x1x1024x256xf32, #tpu.memory_space<vmem>> -> memref<1x1x1024x256xf32, #tpu.memory_space<vmem>>
            %dma_wait3A_642 = tpu.memref_squeeze %dma_wait3A_641 : memref<1x1x1024x256xf32, #tpu.memory_space<vmem>> -> memref<1x1024x256xf32, #tpu.memory_space<vmem>>
            %dma_wait3A_643 = arith.constant 0 : i32
            %dma_wait3A_644 = tpu.memref_slice %arg9[%mul3A_632, %mul3A_634, %dma_wait3A_643] : memref<16x4096x256xf32, #tpu.memory_space<any>> -> memref<1x1024x256xf32, #tpu.memory_space<any>>
            tpu.wait_dma2 semaphore(%dma_wait3A_637 : memref<!tpu.dma_semaphore, #tpu.memory_space<semaphore_mem>>) src(%dma_wait3A_644 : memref<1x1024x256xf32, #tpu.memory_space<any>>) dst(%dma_wait3A_642 : memref<1x1024x256xf32, #tpu.memory_space<vmem>>)
            "tpu.trace_stop"() : () -> ()
          } else {
          }
          %rem3A_381 = arith.constant 2 : i32
          %rem3A_382 = arith.remui %while3A_220, %rem3A_381 : i32
          %rem3A_383 = arith.constant 2 : i32
          %rem3A_384 = arith.remui %while3A_222, %rem3A_383 : i32
          "tpu.trace_start"() <{level = 10 : i32, message = "ep_run_kernel"}> : () -> ()
          %get3A_385 = arith.constant 0 : index
          %get3A_386 = memref.load %arg21[%get3A_385] : memref<1xi32, #tpu.memory_space<smem>>
          %sub3A_387 = arith.constant 1 : i32
          %sub3A_388 = arith.subi %get3A_0, %sub3A_387 : i32
          %min3A_389 = arith.minsi %get3A_386, %sub3A_388 : i32
          %get3A_390 = arith.index_cast %min3A_389 : i32 to index
          %get3A_391 = memref.load %arg1[%get3A_390] : memref<64xi32, #tpu.memory_space<smem>>
          %get3A_392 = arith.index_cast %min3A_389 : i32 to index
          %get3A_393 = memref.load %arg2[%get3A_392] : memref<64xi32, #tpu.memory_space<smem>>
          %get3A_394 = arith.index_cast %get3A_391 : i32 to index
          %get3A_395 = memref.load %arg6[%get3A_394] : memref<16xi32, #tpu.memory_space<smem>>
          %mul3A_396 = arith.constant 1024 : i32
          %mul3A_397 = arith.muli %get3A_393, %mul3A_396 : i32
          %sub3A_398 = arith.subi %get3A_395, %mul3A_397 : i32
          %lt3A = arith.cmpi slt, %get3A_386, %get3A_0 : i32
          %ge3A_399 = arith.constant 1024 : i32
          %ge3A_400 = arith.cmpi sge, %sub3A_398, %ge3A_399 : i32
          %and3A_401 = arith.andi %lt3A, %ge3A_400 : i1
          %convert_element_type3A_402 = arith.extui %and3A_401 : i1 to i32
          %cond3A_403 = arith.constant 0 : i32
          %cond3A_404 = arith.cmpi ne, %convert_element_type3A_402, %cond3A_403 : i32
          scf.if %cond3A_404 {
            %get3A_624 = arith.constant 0 : index
            %get3A_625 = arith.constant 0 : index
            %get3A_626 = vector.load %arg17[%get3A_624, %get3A_625] : memref<8x256xf32, #tpu.memory_space<vmem>>, vector<8x256xf32>
            %get3A_627 = arith.constant 0 : i32
            %get3A_628 = arith.constant 0 : i32
            %get3A_629 = arith.constant 0 : i32
            %get3A_630 = tpu.memref_slice %run_scoped3A[%rem3A_382, %get3A_627, %get3A_628, %get3A_629] : memref<2x1x1024x256xf32, #tpu.memory_space<vmem>> -> memref<1x1x1024x256xf32, #tpu.memory_space<vmem>>
            %get3A_631 = tpu.memref_squeeze %get3A_630 : memref<1x1x1024x256xf32, #tpu.memory_space<vmem>> -> memref<1x1024x256xf32, #tpu.memory_space<vmem>>
            %get3A_632 = arith.constant 0 : index
            %get3A_633 = arith.constant 0 : index
            %get3A_634 = arith.constant 0 : index
            %get3A_635 = vector.load %get3A_631[%get3A_632, %get3A_633, %get3A_634] : memref<1x1024x256xf32, #tpu.memory_space<vmem>>, vector<1x1024x256xf32>
            %get3A_636 = vector.shape_cast %get3A_635 : vector<1x1024x256xf32> to vector<1024x256xf32>
            %slice3A = vector.extract_strided_slice %get3A_636 {offsets = [0, 0], sizes = [512, 256], strides = [1, 1]} : vector<1024x256xf32> to vector<512x256xf32>
            %slice3A_637 = vector.extract_strided_slice %get3A_636 {offsets = [512, 0], sizes = [512, 256], strides = [1, 1]} : vector<1024x256xf32> to vector<512x256xf32>
            %add3A_638 = arith.addf %slice3A, %slice3A_637 : vector<512x256xf32>
            %slice3A_639 = vector.extract_strided_slice %add3A_638 {offsets = [0, 0], sizes = [256, 256], strides = [1, 1]} : vector<512x256xf32> to vector<256x256xf32>
            %slice3A_640 = vector.extract_strided_slice %add3A_638 {offsets = [256, 0], sizes = [256, 256], strides = [1, 1]} : vector<512x256xf32> to vector<256x256xf32>
            %add3A_641 = arith.addf %slice3A_639, %slice3A_640 : vector<256x256xf32>
            %slice3A_642 = vector.extract_strided_slice %add3A_641 {offsets = [0, 0], sizes = [128, 256], strides = [1, 1]} : vector<256x256xf32> to vector<128x256xf32>
            %slice3A_643 = vector.extract_strided_slice %add3A_641 {offsets = [128, 0], sizes = [128, 256], strides = [1, 1]} : vector<256x256xf32> to vector<128x256xf32>
            %add3A_644 = arith.addf %slice3A_642, %slice3A_643 : vector<128x256xf32>
            %slice3A_645 = vector.extract_strided_slice %add3A_644 {offsets = [0, 0], sizes = [64, 256], strides = [1, 1]} : vector<128x256xf32> to vector<64x256xf32>
            %slice3A_646 = vector.extract_strided_slice %add3A_644 {offsets = [64, 0], sizes = [64, 256], strides = [1, 1]} : vector<128x256xf32> to vector<64x256xf32>
            %add3A_647 = arith.addf %slice3A_645, %slice3A_646 : vector<64x256xf32>
            %slice3A_648 = vector.extract_strided_slice %add3A_647 {offsets = [0, 0], sizes = [32, 256], strides = [1, 1]} : vector<64x256xf32> to vector<32x256xf32>
            %slice3A_649 = vector.extract_strided_slice %add3A_647 {offsets = [32, 0], sizes = [32, 256], strides = [1, 1]} : vector<64x256xf32> to vector<32x256xf32>
            %add3A_650 = arith.addf %slice3A_648, %slice3A_649 : vector<32x256xf32>
            %slice3A_651 = vector.extract_strided_slice %add3A_650 {offsets = [0, 0], sizes = [16, 256], strides = [1, 1]} : vector<32x256xf32> to vector<16x256xf32>
            %slice3A_652 = vector.extract_strided_slice %add3A_650 {offsets = [16, 0], sizes = [16, 256], strides = [1, 1]} : vector<32x256xf32> to vector<16x256xf32>
            %add3A_653 = arith.addf %slice3A_651, %slice3A_652 : vector<16x256xf32>
            %slice3A_654 = vector.extract_strided_slice %add3A_653 {offsets = [0, 0], sizes = [8, 256], strides = [1, 1]} : vector<16x256xf32> to vector<8x256xf32>
            %slice3A_655 = vector.extract_strided_slice %add3A_653 {offsets = [8, 0], sizes = [8, 256], strides = [1, 1]} : vector<16x256xf32> to vector<8x256xf32>
            %add3A_656 = arith.addf %slice3A_654, %slice3A_655 : vector<8x256xf32>
            %add3A_657 = arith.addf %get3A_626, %add3A_656 : vector<8x256xf32>
            %swap3A_658 = arith.constant 0 : index
            %swap3A_659 = arith.constant 0 : index
            %swap3A_660 = vector.load %arg17[%swap3A_658, %swap3A_659] : memref<8x256xf32, #tpu.memory_space<vmem>>, vector<8x256xf32>
            tpu.vector_store %arg17[%swap3A_658, %swap3A_659], %add3A_657 {strides = array<i32>} : memref<8x256xf32, #tpu.memory_space<vmem>>, vector<8x256xf32>,
          } else {
          }
          %lt3A_405 = arith.cmpi slt, %get3A_386, %get3A_0 : i32
          %lt3A_406 = arith.constant 1024 : i32
          %lt3A_407 = arith.cmpi slt, %sub3A_398, %lt3A_406 : i32
          %and3A_408 = arith.andi %lt3A_405, %lt3A_407 : i1
          %convert_element_type3A_409 = arith.extui %and3A_408 : i1 to i32
          %cond3A_410 = arith.constant 0 : i32
          %cond3A_411 = arith.cmpi ne, %convert_element_type3A_409, %cond3A_410 : i32
          scf.if %cond3A_411 {
            %lt3A_624 = vector.broadcast %sub3A_398 : i32 to vector<1024x1xi32>
            %lt3A_625 = arith.cmpi slt, %iota3A, %lt3A_624 : vector<1024x1xi32>
            %get3A_626 = arith.constant 0 : i32
            %get3A_627 = arith.constant 0 : i32
            %get3A_628 = arith.constant 0 : i32
            %get3A_629 = tpu.memref_slice %run_scoped3A[%rem3A_382, %get3A_626, %get3A_627, %get3A_628] : memref<2x1x1024x256xf32, #tpu.memory_space<vmem>> -> memref<1x1x1024x256xf32, #tpu.memory_space<vmem>>
            %get3A_630 = tpu.memref_squeeze %get3A_629 : memref<1x1x1024x256xf32, #tpu.memory_space<vmem>> -> memref<1x1024x256xf32, #tpu.memory_space<vmem>>
            %get3A_631 = arith.constant 0 : index
            %get3A_632 = arith.constant 0 : index
            %get3A_633 = arith.constant 0 : index
            %get3A_634 = vector.load %get3A_630[%get3A_631, %get3A_632, %get3A_633] : memref<1x1024x256xf32, #tpu.memory_space<vmem>>, vector<1x1024x256xf32>
            %get3A_635 = vector.shape_cast %get3A_634 : vector<1x1024x256xf32> to vector<1024x256xf32>
            %jit3A = arith.constant 0.000000e+00 : f32
            %broadcast_in_dim3A_636 = vector.shape_cast %lt3A_625 : vector<1024x1xi1> to vector<1024x1xi1>
            %broadcast_in_dim3A_637 = vector.broadcast %broadcast_in_dim3A_636 : vector<1024x1xi1> to vector<1024x256xi1>
            %broadcast_in_dim3A_638 = vector.broadcast %jit3A : f32 to vector<1024x256xf32>
            %select_n3A_639 = arith.select %broadcast_in_dim3A_637, %get3A_635, %broadcast_in_dim3A_638 : vector<1024x256xi1>, vector<1024x256xf32>
            %get3A_640 = arith.constant 0 : index
            %get3A_641 = arith.constant 0 : index
            %get3A_642 = vector.load %arg17[%get3A_640, %get3A_641] : memref<8x256xf32, #tpu.memory_space<vmem>>, vector<8x256xf32>
            %slice3A = vector.extract_strided_slice %select_n3A_639 {offsets = [0, 0], sizes = [512, 256], strides = [1, 1]} : vector<1024x256xf32> to vector<512x256xf32>
            %slice3A_643 = vector.extract_strided_slice %select_n3A_639 {offsets = [512, 0], sizes = [512, 256], strides = [1, 1]} : vector<1024x256xf32> to vector<512x256xf32>
            %add3A_644 = arith.addf %slice3A, %slice3A_643 : vector<512x256xf32>
            %slice3A_645 = vector.extract_strided_slice %add3A_644 {offsets = [0, 0], sizes = [256, 256], strides = [1, 1]} : vector<512x256xf32> to vector<256x256xf32>
            %slice3A_646 = vector.extract_strided_slice %add3A_644 {offsets = [256, 0], sizes = [256, 256], strides = [1, 1]} : vector<512x256xf32> to vector<256x256xf32>
            %add3A_647 = arith.addf %slice3A_645, %slice3A_646 : vector<256x256xf32>
            %slice3A_648 = vector.extract_strided_slice %add3A_647 {offsets = [0, 0], sizes = [128, 256], strides = [1, 1]} : vector<256x256xf32> to vector<128x256xf32>
            %slice3A_649 = vector.extract_strided_slice %add3A_647 {offsets = [128, 0], sizes = [128, 256], strides = [1, 1]} : vector<256x256xf32> to vector<128x256xf32>
            %add3A_650 = arith.addf %slice3A_648, %slice3A_649 : vector<128x256xf32>
            %slice3A_651 = vector.extract_strided_slice %add3A_650 {offsets = [0, 0], sizes = [64, 256], strides = [1, 1]} : vector<128x256xf32> to vector<64x256xf32>
            %slice3A_652 = vector.extract_strided_slice %add3A_650 {offsets = [64, 0], sizes = [64, 256], strides = [1, 1]} : vector<128x256xf32> to vector<64x256xf32>
            %add3A_653 = arith.addf %slice3A_651, %slice3A_652 : vector<64x256xf32>
            %slice3A_654 = vector.extract_strided_slice %add3A_653 {offsets = [0, 0], sizes = [32, 256], strides = [1, 1]} : vector<64x256xf32> to vector<32x256xf32>
            %slice3A_655 = vector.extract_strided_slice %add3A_653 {offsets = [32, 0], sizes = [32, 256], strides = [1, 1]} : vector<64x256xf32> to vector<32x256xf32>
            %add3A_656 = arith.addf %slice3A_654, %slice3A_655 : vector<32x256xf32>
            %slice3A_657 = vector.extract_strided_slice %add3A_656 {offsets = [0, 0], sizes = [16, 256], strides = [1, 1]} : vector<32x256xf32> to vector<16x256xf32>
            %slice3A_658 = vector.extract_strided_slice %add3A_656 {offsets = [16, 0], sizes = [16, 256], strides = [1, 1]} : vector<32x256xf32> to vector<16x256xf32>
            %add3A_659 = arith.addf %slice3A_657, %slice3A_658 : vector<16x256xf32>
            %slice3A_660 = vector.extract_strided_slice %add3A_659 {offsets = [0, 0], sizes = [8, 256], strides = [1, 1]} : vector<16x256xf32> to vector<8x256xf32>
            %slice3A_661 = vector.extract_strided_slice %add3A_659 {offsets = [8, 0], sizes = [8, 256], strides = [1, 1]} : vector<16x256xf32> to vector<8x256xf32>
            %add3A_662 = arith.addf %slice3A_660, %slice3A_661 : vector<8x256xf32>
            %add3A_663 = arith.addf %get3A_642, %add3A_662 : vector<8x256xf32>
            %swap3A_664 = arith.constant 0 : index
            %swap3A_665 = arith.constant 0 : index
            %swap3A_666 = vector.load %arg17[%swap3A_664, %swap3A_665] : memref<8x256xf32, #tpu.memory_space<vmem>>, vector<8x256xf32>
            tpu.vector_store %arg17[%swap3A_664, %swap3A_665], %add3A_663 {strides = array<i32>} : memref<8x256xf32, #tpu.memory_space<vmem>>, vector<8x256xf32>,
          } else {
          }
          %lt3A_412 = arith.cmpi slt, %get3A_386, %get3A_0 : i32
          %le3A = arith.constant 1024 : i32
          %le3A_413 = arith.cmpi sle, %sub3A_398, %le3A : i32
          %and3A_414 = arith.andi %lt3A_412, %le3A_413 : i1
          %convert_element_type3A_415 = arith.extui %and3A_414 : i1 to i32
          %cond3A_416 = arith.constant 0 : i32
          %cond3A_417 = arith.cmpi ne, %convert_element_type3A_415, %cond3A_416 : i32
          scf.if %cond3A_417 {
            %get3A_624 = arith.constant 0 : index
            %get3A_625 = arith.constant 0 : index
            %get3A_626 = vector.load %arg17[%get3A_624, %get3A_625] : memref<8x256xf32, #tpu.memory_space<vmem>>, vector<8x256xf32>
            %reduce_sum3A = arith.constant dense<0.000000e+00> : vector<256xf32>
            %reduce_sum3A_627 = vector.multi_reduction <add>, %get3A_626, %reduce_sum3A [0] : vector<8x256xf32> to vector<256xf32>
            %broadcast_in_dim3A_628 = vector.shape_cast %reduce_sum3A_627 : vector<256xf32> to vector<1x256xf32>
            %swap3A_629 = arith.index_cast %get3A_391 : i32 to index
            %swap3A_630 = arith.constant 0 : index
            %swap3A_631 = vector.load %arg19[%swap3A_629, %swap3A_630] : memref<16x256xf32, #tpu.memory_space<vmem>>, vector<1x256xf32>
            tpu.vector_store %arg19[%swap3A_629, %swap3A_630], %broadcast_in_dim3A_628 {strides = array<i32>} : memref<16x256xf32, #tpu.memory_space<vmem>>, vector<1x256xf32>,
            %broadcast_in_dim3A_632 = arith.constant 0.000000e+00 : f32
            %broadcast_in_dim3A_633 = vector.broadcast %broadcast_in_dim3A_632 : f32 to vector<8x256xf32>
            %swap3A_634 = arith.constant 0 : index
            %swap3A_635 = arith.constant 0 : index
            %swap3A_636 = vector.load %arg17[%swap3A_634, %swap3A_635] : memref<8x256xf32, #tpu.memory_space<vmem>>, vector<8x256xf32>
            tpu.vector_store %arg17[%swap3A_634, %swap3A_635], %broadcast_in_dim3A_633 {strides = array<i32>} : memref<8x256xf32, #tpu.memory_space<vmem>>, vector<8x256xf32>,
          } else {
          }
          %sub3A_418 = arith.constant 1 : i32
          %sub3A_419 = arith.subi %get3A_2, %sub3A_418 : i32
          %min3A_420 = arith.minsi %get3A_386, %sub3A_419 : i32
          %get3A_421 = arith.index_cast %min3A_420 : i32 to index
          %get3A_422 = memref.load %arg3[%get3A_421] : memref<64xi32, #tpu.memory_space<smem>>
          %get3A_423 = arith.index_cast %min3A_420 : i32 to index
          %get3A_424 = memref.load %arg4[%get3A_423] : memref<64xi32, #tpu.memory_space<smem>>
          %get3A_425 = arith.index_cast %get3A_422 : i32 to index
          %get3A_426 = memref.load %arg7[%get3A_425] : memref<16xi32, #tpu.memory_space<smem>>
          %mul3A_427 = arith.constant 1024 : i32
          %mul3A_428 = arith.muli %get3A_424, %mul3A_427 : i32
          %sub3A_429 = arith.subi %get3A_426, %mul3A_428 : i32
          %lt3A_430 = arith.cmpi slt, %get3A_386, %get3A_2 : i32
          %ge3A_431 = arith.constant 1024 : i32
          %ge3A_432 = arith.cmpi sge, %sub3A_429, %ge3A_431 : i32
          %and3A_433 = arith.andi %lt3A_430, %ge3A_432 : i1
          %convert_element_type3A_434 = arith.extui %and3A_433 : i1 to i32
          %cond3A_435 = arith.constant 0 : i32
          %cond3A_436 = arith.cmpi ne, %convert_element_type3A_434, %cond3A_435 : i32
          scf.if %cond3A_436 {
            %get3A_624 = arith.constant 0 : index
            %get3A_625 = arith.constant 0 : index
            %get3A_626 = vector.load %arg18[%get3A_624, %get3A_625] : memref<8x256xf32, #tpu.memory_space<vmem>>, vector<8x256xf32>
            %get3A_627 = arith.constant 0 : i32
            %get3A_628 = arith.constant 0 : i32
            %get3A_629 = arith.constant 0 : i32
            %get3A_630 = tpu.memref_slice %run_scoped3A_56[%rem3A_384, %get3A_627, %get3A_628, %get3A_629] : memref<2x1x1024x256xf32, #tpu.memory_space<vmem>> -> memref<1x1x1024x256xf32, #tpu.memory_space<vmem>>
            %get3A_631 = tpu.memref_squeeze %get3A_630 : memref<1x1x1024x256xf32, #tpu.memory_space<vmem>> -> memref<1x1024x256xf32, #tpu.memory_space<vmem>>
            %get3A_632 = arith.constant 0 : index
            %get3A_633 = arith.constant 0 : index
            %get3A_634 = arith.constant 0 : index
            %get3A_635 = vector.load %get3A_631[%get3A_632, %get3A_633, %get3A_634] : memref<1x1024x256xf32, #tpu.memory_space<vmem>>, vector<1x1024x256xf32>
            %get3A_636 = vector.shape_cast %get3A_635 : vector<1x1024x256xf32> to vector<1024x256xf32>
            %slice3A = vector.extract_strided_slice %get3A_636 {offsets = [0, 0], sizes = [512, 256], strides = [1, 1]} : vector<1024x256xf32> to vector<512x256xf32>
            %slice3A_637 = vector.extract_strided_slice %get3A_636 {offsets = [512, 0], sizes = [512, 256], strides = [1, 1]} : vector<1024x256xf32> to vector<512x256xf32>
            %add3A_638 = arith.addf %slice3A, %slice3A_637 : vector<512x256xf32>
            %slice3A_639 = vector.extract_strided_slice %add3A_638 {offsets = [0, 0], sizes = [256, 256], strides = [1, 1]} : vector<512x256xf32> to vector<256x256xf32>
            %slice3A_640 = vector.extract_strided_slice %add3A_638 {offsets = [256, 0], sizes = [256, 256], strides = [1, 1]} : vector<512x256xf32> to vector<256x256xf32>
            %add3A_641 = arith.addf %slice3A_639, %slice3A_640 : vector<256x256xf32>
            %slice3A_642 = vector.extract_strided_slice %add3A_641 {offsets = [0, 0], sizes = [128, 256], strides = [1, 1]} : vector<256x256xf32> to vector<128x256xf32>
            %slice3A_643 = vector.extract_strided_slice %add3A_641 {offsets = [128, 0], sizes = [128, 256], strides = [1, 1]} : vector<256x256xf32> to vector<128x256xf32>
            %add3A_644 = arith.addf %slice3A_642, %slice3A_643 : vector<128x256xf32>
            %slice3A_645 = vector.extract_strided_slice %add3A_644 {offsets = [0, 0], sizes = [64, 256], strides = [1, 1]} : vector<128x256xf32> to vector<64x256xf32>
            %slice3A_646 = vector.extract_strided_slice %add3A_644 {offsets = [64, 0], sizes = [64, 256], strides = [1, 1]} : vector<128x256xf32> to vector<64x256xf32>
            %add3A_647 = arith.addf %slice3A_645, %slice3A_646 : vector<64x256xf32>
            %slice3A_648 = vector.extract_strided_slice %add3A_647 {offsets = [0, 0], sizes = [32, 256], strides = [1, 1]} : vector<64x256xf32> to vector<32x256xf32>
            %slice3A_649 = vector.extract_strided_slice %add3A_647 {offsets = [32, 0], sizes = [32, 256], strides = [1, 1]} : vector<64x256xf32> to vector<32x256xf32>
            %add3A_650 = arith.addf %slice3A_648, %slice3A_649 : vector<32x256xf32>
            %slice3A_651 = vector.extract_strided_slice %add3A_650 {offsets = [0, 0], sizes = [16, 256], strides = [1, 1]} : vector<32x256xf32> to vector<16x256xf32>
            %slice3A_652 = vector.extract_strided_slice %add3A_650 {offsets = [16, 0], sizes = [16, 256], strides = [1, 1]} : vector<32x256xf32> to vector<16x256xf32>
            %add3A_653 = arith.addf %slice3A_651, %slice3A_652 : vector<16x256xf32>
            %slice3A_654 = vector.extract_strided_slice %add3A_653 {offsets = [0, 0], sizes = [8, 256], strides = [1, 1]} : vector<16x256xf32> to vector<8x256xf32>
            %slice3A_655 = vector.extract_strided_slice %add3A_653 {offsets = [8, 0], sizes = [8, 256], strides = [1, 1]} : vector<16x256xf32> to vector<8x256xf32>
            %add3A_656 = arith.addf %slice3A_654, %slice3A_655 : vector<8x256xf32>
            %add3A_657 = arith.addf %get3A_626, %add3A_656 : vector<8x256xf32>
            %swap3A_658 = arith.constant 0 : index
            %swap3A_659 = arith.constant 0 : index
            %swap3A_660 = vector.load %arg18[%swap3A_658, %swap3A_659] : memref<8x256xf32, #tpu.memory_space<vmem>>, vector<8x256xf32>
            tpu.vector_store %arg18[%swap3A_658, %swap3A_659], %add3A_657 {strides = array<i32>} : memref<8x256xf32, #tpu.memory_space<vmem>>, vector<8x256xf32>,
          } else {
          }
          %lt3A_437 = arith.cmpi slt, %get3A_386, %get3A_2 : i32
          %lt3A_438 = arith.constant 1024 : i32
          %lt3A_439 = arith.cmpi slt, %sub3A_429, %lt3A_438 : i32
          %and3A_440 = arith.andi %lt3A_437, %lt3A_439 : i1
          %convert_element_type3A_441 = arith.extui %and3A_440 : i1 to i32
          %cond3A_442 = arith.constant 0 : i32
          %cond3A_443 = arith.cmpi ne, %convert_element_type3A_441, %cond3A_442 : i32
          scf.if %cond3A_443 {
            %lt3A_624 = vector.broadcast %sub3A_429 : i32 to vector<1024x1xi32>
            %lt3A_625 = arith.cmpi slt, %iota3A, %lt3A_624 : vector<1024x1xi32>
            %get3A_626 = arith.constant 0 : i32
            %get3A_627 = arith.constant 0 : i32
            %get3A_628 = arith.constant 0 : i32
            %get3A_629 = tpu.memref_slice %run_scoped3A_56[%rem3A_384, %get3A_626, %get3A_627, %get3A_628] : memref<2x1x1024x256xf32, #tpu.memory_space<vmem>> -> memref<1x1x1024x256xf32, #tpu.memory_space<vmem>>
            %get3A_630 = tpu.memref_squeeze %get3A_629 : memref<1x1x1024x256xf32, #tpu.memory_space<vmem>> -> memref<1x1024x256xf32, #tpu.memory_space<vmem>>
            %get3A_631 = arith.constant 0 : index
            %get3A_632 = arith.constant 0 : index
            %get3A_633 = arith.constant 0 : index
            %get3A_634 = vector.load %get3A_630[%get3A_631, %get3A_632, %get3A_633] : memref<1x1024x256xf32, #tpu.memory_space<vmem>>, vector<1x1024x256xf32>
            %get3A_635 = vector.shape_cast %get3A_634 : vector<1x1024x256xf32> to vector<1024x256xf32>
            %jit3A = arith.constant 0.000000e+00 : f32
            %broadcast_in_dim3A_636 = vector.shape_cast %lt3A_625 : vector<1024x1xi1> to vector<1024x1xi1>
            %broadcast_in_dim3A_637 = vector.broadcast %broadcast_in_dim3A_636 : vector<1024x1xi1> to vector<1024x256xi1>
            %broadcast_in_dim3A_638 = vector.broadcast %jit3A : f32 to vector<1024x256xf32>
            %select_n3A_639 = arith.select %broadcast_in_dim3A_637, %get3A_635, %broadcast_in_dim3A_638 : vector<1024x256xi1>, vector<1024x256xf32>
            %get3A_640 = arith.constant 0 : index
            %get3A_641 = arith.constant 0 : index
            %get3A_642 = vector.load %arg18[%get3A_640, %get3A_641] : memref<8x256xf32, #tpu.memory_space<vmem>>, vector<8x256xf32>
            %slice3A = vector.extract_strided_slice %select_n3A_639 {offsets = [0, 0], sizes = [512, 256], strides = [1, 1]} : vector<1024x256xf32> to vector<512x256xf32>
            %slice3A_643 = vector.extract_strided_slice %select_n3A_639 {offsets = [512, 0], sizes = [512, 256], strides = [1, 1]} : vector<1024x256xf32> to vector<512x256xf32>
            %add3A_644 = arith.addf %slice3A, %slice3A_643 : vector<512x256xf32>
            %slice3A_645 = vector.extract_strided_slice %add3A_644 {offsets = [0, 0], sizes = [256, 256], strides = [1, 1]} : vector<512x256xf32> to vector<256x256xf32>
            %slice3A_646 = vector.extract_strided_slice %add3A_644 {offsets = [256, 0], sizes = [256, 256], strides = [1, 1]} : vector<512x256xf32> to vector<256x256xf32>
            %add3A_647 = arith.addf %slice3A_645, %slice3A_646 : vector<256x256xf32>
            %slice3A_648 = vector.extract_strided_slice %add3A_647 {offsets = [0, 0], sizes = [128, 256], strides = [1, 1]} : vector<256x256xf32> to vector<128x256xf32>
            %slice3A_649 = vector.extract_strided_slice %add3A_647 {offsets = [128, 0], sizes = [128, 256], strides = [1, 1]} : vector<256x256xf32> to vector<128x256xf32>
            %add3A_650 = arith.addf %slice3A_648, %slice3A_649 : vector<128x256xf32>
            %slice3A_651 = vector.extract_strided_slice %add3A_650 {offsets = [0, 0], sizes = [64, 256], strides = [1, 1]} : vector<128x256xf32> to vector<64x256xf32>
            %slice3A_652 = vector.extract_strided_slice %add3A_650 {offsets = [64, 0], sizes = [64, 256], strides = [1, 1]} : vector<128x256xf32> to vector<64x256xf32>
            %add3A_653 = arith.addf %slice3A_651, %slice3A_652 : vector<64x256xf32>
            %slice3A_654 = vector.extract_strided_slice %add3A_653 {offsets = [0, 0], sizes = [32, 256], strides = [1, 1]} : vector<64x256xf32> to vector<32x256xf32>
            %slice3A_655 = vector.extract_strided_slice %add3A_653 {offsets = [32, 0], sizes = [32, 256], strides = [1, 1]} : vector<64x256xf32> to vector<32x256xf32>
            %add3A_656 = arith.addf %slice3A_654, %slice3A_655 : vector<32x256xf32>
            %slice3A_657 = vector.extract_strided_slice %add3A_656 {offsets = [0, 0], sizes = [16, 256], strides = [1, 1]} : vector<32x256xf32> to vector<16x256xf32>
            %slice3A_658 = vector.extract_strided_slice %add3A_656 {offsets = [16, 0], sizes = [16, 256], strides = [1, 1]} : vector<32x256xf32> to vector<16x256xf32>
            %add3A_659 = arith.addf %slice3A_657, %slice3A_658 : vector<16x256xf32>
            %slice3A_660 = vector.extract_strided_slice %add3A_659 {offsets = [0, 0], sizes = [8, 256], strides = [1, 1]} : vector<16x256xf32> to vector<8x256xf32>
            %slice3A_661 = vector.extract_strided_slice %add3A_659 {offsets = [8, 0], sizes = [8, 256], strides = [1, 1]} : vector<16x256xf32> to vector<8x256xf32>
            %add3A_662 = arith.addf %slice3A_660, %slice3A_661 : vector<8x256xf32>
            %add3A_663 = arith.addf %get3A_642, %add3A_662 : vector<8x256xf32>
            %swap3A_664 = arith.constant 0 : index
            %swap3A_665 = arith.constant 0 : index
            %swap3A_666 = vector.load %arg18[%swap3A_664, %swap3A_665] : memref<8x256xf32, #tpu.memory_space<vmem>>, vector<8x256xf32>
            tpu.vector_store %arg18[%swap3A_664, %swap3A_665], %add3A_663 {strides = array<i32>} : memref<8x256xf32, #tpu.memory_space<vmem>>, vector<8x256xf32>,
          } else {
          }
          %lt3A_444 = arith.cmpi slt, %get3A_386, %get3A_2 : i32
          %le3A_445 = arith.constant 1024 : i32
          %le3A_446 = arith.cmpi sle, %sub3A_429, %le3A_445 : i32
          %and3A_447 = arith.andi %lt3A_444, %le3A_446 : i1
          %convert_element_type3A_448 = arith.extui %and3A_447 : i1 to i32
          %cond3A_449 = arith.constant 0 : i32
          %cond3A_450 = arith.cmpi ne, %convert_element_type3A_448, %cond3A_449 : i32
          scf.if %cond3A_450 {
            %get3A_624 = arith.constant 0 : index
            %get3A_625 = arith.constant 0 : index
            %get3A_626 = vector.load %arg18[%get3A_624, %get3A_625] : memref<8x256xf32, #tpu.memory_space<vmem>>, vector<8x256xf32>
            %reduce_sum3A = arith.constant dense<0.000000e+00> : vector<256xf32>
            %reduce_sum3A_627 = vector.multi_reduction <add>, %get3A_626, %reduce_sum3A [0] : vector<8x256xf32> to vector<256xf32>
            %broadcast_in_dim3A_628 = vector.shape_cast %reduce_sum3A_627 : vector<256xf32> to vector<1x256xf32>
            %swap3A_629 = arith.index_cast %get3A_422 : i32 to index
            %swap3A_630 = arith.constant 0 : index
            %swap3A_631 = vector.load %arg20[%swap3A_629, %swap3A_630] : memref<16x256xf32, #tpu.memory_space<vmem>>, vector<1x256xf32>
            tpu.vector_store %arg20[%swap3A_629, %swap3A_630], %broadcast_in_dim3A_628 {strides = array<i32>} : memref<16x256xf32, #tpu.memory_space<vmem>>, vector<1x256xf32>,
            %broadcast_in_dim3A_632 = arith.constant 0.000000e+00 : f32
            %broadcast_in_dim3A_633 = vector.broadcast %broadcast_in_dim3A_632 : f32 to vector<8x256xf32>
            %swap3A_634 = arith.constant 0 : index
            %swap3A_635 = arith.constant 0 : index
            %swap3A_636 = vector.load %arg18[%swap3A_634, %swap3A_635] : memref<8x256xf32, #tpu.memory_space<vmem>>, vector<8x256xf32>
            tpu.vector_store %arg18[%swap3A_634, %swap3A_635], %broadcast_in_dim3A_633 {strides = array<i32>} : memref<8x256xf32, #tpu.memory_space<vmem>>, vector<8x256xf32>,
          } else {
          }
          %add3A_451 = arith.constant 1 : i32
          %add3A_452 = arith.addi %get3A_386, %add3A_451 : i32
          %swap3A_453 = arith.constant 0 : index
          %swap3A_454 = memref.load %arg21[%swap3A_453] : memref<1xi32, #tpu.memory_space<smem>>
          memref.store %add3A_452, %arg21[%swap3A_453] : memref<1xi32, #tpu.memory_space<smem>>
          "tpu.trace_stop"() : () -> ()
          %sub3A_455 = arith.constant 1 : i32
          %sub3A_456 = arith.subi %get3A_0, %sub3A_455 : i32
          %min3A_457 = arith.minsi %add3A_232, %sub3A_456 : i32
          %get3A_458 = arith.index_cast %min3A_457 : i32 to index
          %get3A_459 = memref.load %arg1[%get3A_458] : memref<64xi32, #tpu.memory_space<smem>>
          %get3A_460 = arith.index_cast %min3A_457 : i32 to index
          %get3A_461 = memref.load %arg2[%get3A_460] : memref<64xi32, #tpu.memory_space<smem>>
          %sub3A_462 = arith.constant 1 : i32
          %sub3A_463 = arith.subi %get3A_0, %sub3A_462 : i32
          %min3A_464 = arith.minsi %add3A_252, %sub3A_463 : i32
          %get3A_465 = arith.index_cast %min3A_464 : i32 to index
          %get3A_466 = memref.load %arg1[%get3A_465] : memref<64xi32, #tpu.memory_space<smem>>
          %get3A_467 = arith.index_cast %min3A_464 : i32 to index
          %get3A_468 = memref.load %arg2[%get3A_467] : memref<64xi32, #tpu.memory_space<smem>>
          %ne3A_469 = arith.cmpi ne, %get3A_459, %get3A_466 : i32
          %ne3A_470 = arith.cmpi ne, %get3A_461, %get3A_468 : i32
          %or3A_471 = arith.constant false
          %or3A_472 = arith.ori %or3A_471, %ne3A_469 : i1
          %or3A_473 = arith.ori %or3A_472, %ne3A_470 : i1
          %or3A_474 = arith.constant false
          %or3A_475 = arith.ori %or3A_473, %or3A_474 : i1
          %or3A_476 = arith.ori %or3A_475, %eq3A_230 : i1
          %convert_element_type3A_477 = arith.extui %or3A_476 : i1 to i32
          %cond3A_478 = arith.constant 0 : i32
          %cond3A_479 = arith.cmpi ne, %convert_element_type3A_477, %cond3A_478 : i32
          scf.if %cond3A_479 {
          } else {
          }
          %and3A_480 = arith.constant false
          %and3A_481 = arith.andi %or3A_476, %and3A_480 : i1
          %sub3A_482 = arith.constant 1 : i32
          %sub3A_483 = arith.subi %get3A_2, %sub3A_482 : i32
          %min3A_484 = arith.minsi %add3A_232, %sub3A_483 : i32
          %get3A_485 = arith.index_cast %min3A_484 : i32 to index
          %get3A_486 = memref.load %arg3[%get3A_485] : memref<64xi32, #tpu.memory_space<smem>>
          %get3A_487 = arith.index_cast %min3A_484 : i32 to index
          %get3A_488 = memref.load %arg4[%get3A_487] : memref<64xi32, #tpu.memory_space<smem>>
          %sub3A_489 = arith.constant 1 : i32
          %sub3A_490 = arith.subi %get3A_2, %sub3A_489 : i32
          %min3A_491 = arith.minsi %add3A_252, %sub3A_490 : i32
          %get3A_492 = arith.index_cast %min3A_491 : i32 to index
          %get3A_493 = memref.load %arg3[%get3A_492] : memref<64xi32, #tpu.memory_space<smem>>
          %get3A_494 = arith.index_cast %min3A_491 : i32 to index
          %get3A_495 = memref.load %arg4[%get3A_494] : memref<64xi32, #tpu.memory_space<smem>>
          %ne3A_496 = arith.cmpi ne, %get3A_486, %get3A_493 : i32
          %ne3A_497 = arith.cmpi ne, %get3A_488, %get3A_495 : i32
          %or3A_498 = arith.constant false
          %or3A_499 = arith.ori %or3A_498, %ne3A_496 : i1
          %or3A_500 = arith.ori %or3A_499, %ne3A_497 : i1
          %or3A_501 = arith.constant false
          %or3A_502 = arith.ori %or3A_500, %or3A_501 : i1
          %or3A_503 = arith.ori %or3A_502, %eq3A_230 : i1
          %convert_element_type3A_504 = arith.extui %or3A_503 : i1 to i32
          %cond3A_505 = arith.constant 0 : i32
          %cond3A_506 = arith.cmpi ne, %convert_element_type3A_504, %cond3A_505 : i32
          scf.if %cond3A_506 {
          } else {
          }
          %and3A_507 = arith.constant false
          %and3A_508 = arith.andi %or3A_503, %and3A_507 : i1
          %sub3A_509 = arith.constant 1 : i32
          %sub3A_510 = arith.subi %get3A_0, %sub3A_509 : i32
          %min3A_511 = arith.minsi %add3A_232, %sub3A_510 : i32
          %get3A_512 = arith.index_cast %min3A_511 : i32 to index
          %get3A_513 = memref.load %arg1[%get3A_512] : memref<64xi32, #tpu.memory_space<smem>>
          %get3A_514 = arith.index_cast %min3A_511 : i32 to index
          %get3A_515 = memref.load %arg2[%get3A_514] : memref<64xi32, #tpu.memory_space<smem>>
          %sub3A_516 = arith.constant 1 : i32
          %sub3A_517 = arith.subi %get3A_0, %sub3A_516 : i32
          %min3A_518 = arith.minsi %add3A_243, %sub3A_517 : i32
          %get3A_519 = arith.index_cast %min3A_518 : i32 to index
          %get3A_520 = memref.load %arg1[%get3A_519] : memref<64xi32, #tpu.memory_space<smem>>
          %get3A_521 = arith.index_cast %min3A_518 : i32 to index
          %get3A_522 = memref.load %arg2[%get3A_521] : memref<64xi32, #tpu.memory_space<smem>>
          %ne3A_523 = arith.cmpi ne, %get3A_513, %get3A_520 : i32
          %ne3A_524 = arith.cmpi ne, %get3A_515, %get3A_522 : i32
          %or3A_525 = arith.constant false
          %or3A_526 = arith.ori %or3A_525, %ne3A_523 : i1
          %or3A_527 = arith.ori %or3A_526, %ne3A_524 : i1
          %or3A_528 = arith.constant false
          %or3A_529 = arith.ori %or3A_527, %or3A_528 : i1
          %not3A_530 = arith.constant true
          %not3A_531 = arith.xori %eq3A_227, %not3A_530 : i1
          %and3A_532 = arith.andi %or3A_529, %not3A_531 : i1
          %convert_element_type3A_533 = arith.extui %and3A_532 : i1 to i32
          %cond3A_534 = arith.constant 0 : i32
          %cond3A_535 = arith.cmpi ne, %convert_element_type3A_533, %cond3A_534 : i32
          scf.if %cond3A_535 {
          } else {
          }
          %and3A_536 = arith.constant false
          %and3A_537 = arith.andi %and3A_532, %and3A_536 : i1
          %sub3A_538 = arith.constant 1 : i32
          %sub3A_539 = arith.subi %get3A_2, %sub3A_538 : i32
          %min3A_540 = arith.minsi %add3A_232, %sub3A_539 : i32
          %get3A_541 = arith.index_cast %min3A_540 : i32 to index
          %get3A_542 = memref.load %arg3[%get3A_541] : memref<64xi32, #tpu.memory_space<smem>>
          %get3A_543 = arith.index_cast %min3A_540 : i32 to index
          %get3A_544 = memref.load %arg4[%get3A_543] : memref<64xi32, #tpu.memory_space<smem>>
          %sub3A_545 = arith.constant 1 : i32
          %sub3A_546 = arith.subi %get3A_2, %sub3A_545 : i32
          %min3A_547 = arith.minsi %add3A_243, %sub3A_546 : i32
          %get3A_548 = arith.index_cast %min3A_547 : i32 to index
          %get3A_549 = memref.load %arg3[%get3A_548] : memref<64xi32, #tpu.memory_space<smem>>
          %get3A_550 = arith.index_cast %min3A_547 : i32 to index
          %get3A_551 = memref.load %arg4[%get3A_550] : memref<64xi32, #tpu.memory_space<smem>>
          %ne3A_552 = arith.cmpi ne, %get3A_542, %get3A_549 : i32
          %ne3A_553 = arith.cmpi ne, %get3A_544, %get3A_551 : i32
          %or3A_554 = arith.constant false
          %or3A_555 = arith.ori %or3A_554, %ne3A_552 : i1
          %or3A_556 = arith.ori %or3A_555, %ne3A_553 : i1
          %or3A_557 = arith.constant false
          %or3A_558 = arith.ori %or3A_556, %or3A_557 : i1
          %not3A_559 = arith.constant true
          %not3A_560 = arith.xori %eq3A_227, %not3A_559 : i1
          %and3A_561 = arith.andi %or3A_558, %not3A_560 : i1
          %convert_element_type3A_562 = arith.extui %and3A_561 : i1 to i32
          %cond3A_563 = arith.constant 0 : i32
          %cond3A_564 = arith.cmpi ne, %convert_element_type3A_562, %cond3A_563 : i32
          scf.if %cond3A_564 {
          } else {
          }
          %and3A_565 = arith.constant false
          %and3A_566 = arith.andi %and3A_561, %and3A_565 : i1
          %sub3A_567 = arith.constant 1 : i32
          %sub3A_568 = arith.subi %get3A_0, %sub3A_567 : i32
          %min3A_569 = arith.minsi %add3A_232, %sub3A_568 : i32
          %get3A_570 = arith.index_cast %min3A_569 : i32 to index
          %get3A_571 = memref.load %arg1[%get3A_570] : memref<64xi32, #tpu.memory_space<smem>>
          %get3A_572 = arith.index_cast %min3A_569 : i32 to index
          %get3A_573 = memref.load %arg2[%get3A_572] : memref<64xi32, #tpu.memory_space<smem>>
          %sub3A_574 = arith.constant 1 : i32
          %sub3A_575 = arith.subi %get3A_0, %sub3A_574 : i32
          %min3A_576 = arith.minsi %add3A_252, %sub3A_575 : i32
          %get3A_577 = arith.index_cast %min3A_576 : i32 to index
          %get3A_578 = memref.load %arg1[%get3A_577] : memref<64xi32, #tpu.memory_space<smem>>
          %get3A_579 = arith.index_cast %min3A_576 : i32 to index
          %get3A_580 = memref.load %arg2[%get3A_579] : memref<64xi32, #tpu.memory_space<smem>>
          %ne3A_581 = arith.cmpi ne, %get3A_571, %get3A_578 : i32
          %ne3A_582 = arith.cmpi ne, %get3A_573, %get3A_580 : i32
          %or3A_583 = arith.constant false
          %or3A_584 = arith.ori %or3A_583, %ne3A_581 : i1
          %or3A_585 = arith.ori %or3A_584, %ne3A_582 : i1
          %or3A_586 = arith.constant false
          %or3A_587 = arith.ori %or3A_585, %or3A_586 : i1
          %or3A_588 = arith.ori %or3A_587, %eq3A_230 : i1
          %add3A_589 = arith.constant 1 : i32
          %add3A_590 = arith.addi %while3A_220, %add3A_589 : i32
          %select_n3A_591 = arith.select %or3A_588, %add3A_590, %while3A_220 : i32
          %sub3A_592 = arith.constant 1 : i32
          %sub3A_593 = arith.subi %get3A_2, %sub3A_592 : i32
          %min3A_594 = arith.minsi %add3A_232, %sub3A_593 : i32
          %get3A_595 = arith.index_cast %min3A_594 : i32 to index
          %get3A_596 = memref.load %arg3[%get3A_595] : memref<64xi32, #tpu.memory_space<smem>>
          %get3A_597 = arith.index_cast %min3A_594 : i32 to index
          %get3A_598 = memref.load %arg4[%get3A_597] : memref<64xi32, #tpu.memory_space<smem>>
          %sub3A_599 = arith.constant 1 : i32
          %sub3A_600 = arith.subi %get3A_2, %sub3A_599 : i32
          %min3A_601 = arith.minsi %add3A_252, %sub3A_600 : i32
          %get3A_602 = arith.index_cast %min3A_601 : i32 to index
          %get3A_603 = memref.load %arg3[%get3A_602] : memref<64xi32, #tpu.memory_space<smem>>
          %get3A_604 = arith.index_cast %min3A_601 : i32 to index
          %get3A_605 = memref.load %arg4[%get3A_604] : memref<64xi32, #tpu.memory_space<smem>>
          %ne3A_606 = arith.cmpi ne, %get3A_596, %get3A_603 : i32
          %ne3A_607 = arith.cmpi ne, %get3A_598, %get3A_605 : i32
          %or3A_608 = arith.constant false
          %or3A_609 = arith.ori %or3A_608, %ne3A_606 : i1
          %or3A_610 = arith.ori %or3A_609, %ne3A_607 : i1
          %or3A_611 = arith.constant false
          %or3A_612 = arith.ori %or3A_610, %or3A_611 : i1
          %or3A_613 = arith.ori %or3A_612, %eq3A_230 : i1
          %add3A_614 = arith.constant 1 : i32
          %add3A_615 = arith.addi %while3A_222, %add3A_614 : i32
          %select_n3A_616 = arith.select %or3A_613, %add3A_615, %while3A_222 : i32
          %add3A_617 = arith.constant 1 : i32
          %add3A_618 = arith.addi %while3A_223, %add3A_617 : i32
          %select_n3A_619 = arith.constant true
          %select_n3A_620 = arith.select %select_n3A_619, %add3A_618, %while3A_223 : i32
          %eq3A_621 = arith.cmpi eq, %select_n3A_620, %max3A : i32
          %select_n3A_622 = arith.constant 0 : i32
          %select_n3A_623 = arith.select %eq3A_621, %select_n3A_622, %select_n3A_620 : i32
          scf.yield %select_n3A_293, %select_n3A_591, %select_n3A_330, %select_n3A_616, %select_n3A_623 : i32, i32, i32, i32, i32
        }
        %sub3A_163 = arith.constant 1 : i32
        %sub3A_164 = arith.subi %while3A_162#4, %sub3A_163 : i32
        %select_n3A_165 = arith.constant true
        %select_n3A_166 = arith.select %select_n3A_165, %sub3A_164, %while3A_162#4 : i32
        %eq3A_167 = arith.constant -1 : i32
        %eq3A_168 = arith.cmpi eq, %select_n3A_166, %eq3A_167 : i32
        %sub3A_169 = arith.constant 1 : i32
        %sub3A_170 = arith.subi %max3A, %sub3A_169 : i32
        %select_n3A_171 = arith.select %eq3A_168, %sub3A_170, %select_n3A_166 : i32
        %sub3A_172 = arith.constant 1 : i32
        %sub3A_173 = arith.subi %mul3A_14, %sub3A_172 : i32
        %mul3A_174 = arith.constant 1 : i32
        %mul3A_175 = arith.muli %mul3A_174, %max3A : i32
        %eq3A_176 = arith.constant 0 : i32
        %eq3A_177 = arith.cmpi eq, %sub3A_173, %eq3A_176 : i32
        %sub3A_178 = arith.constant 1 : i32
        %sub3A_179 = arith.subi %mul3A_175, %sub3A_178 : i32
        %eq3A_180 = arith.cmpi eq, %sub3A_173, %sub3A_179 : i32
        %add3A_181 = arith.constant 0 : i32
        %add3A_182 = arith.addi %select_n3A_171, %add3A_181 : i32
        %sub3A_183 = arith.constant 1 : i32
        %sub3A_184 = arith.subi %select_n3A_171, %sub3A_183 : i32
        %select_n3A_185 = arith.constant true
        %select_n3A_186 = arith.select %select_n3A_185, %sub3A_184, %select_n3A_171 : i32
        %eq3A_187 = arith.constant -1 : i32
        %eq3A_188 = arith.cmpi eq, %select_n3A_186, %eq3A_187 : i32
        %sub3A_189 = arith.constant 1 : i32
        %sub3A_190 = arith.subi %max3A, %sub3A_189 : i32
        %select_n3A_191 = arith.select %eq3A_188, %sub3A_190, %select_n3A_186 : i32
        %add3A_192 = arith.constant 0 : i32
        %add3A_193 = arith.addi %select_n3A_191, %add3A_192 : i32
        %add3A_194 = arith.constant 1 : i32
        %add3A_195 = arith.addi %select_n3A_171, %add3A_194 : i32
        %select_n3A_196 = arith.constant true
        %select_n3A_197 = arith.select %select_n3A_196, %add3A_195, %select_n3A_171 : i32
        %eq3A_198 = arith.cmpi eq, %select_n3A_197, %max3A : i32
        %select_n3A_199 = arith.constant 0 : i32
        %select_n3A_200 = arith.select %eq3A_198, %select_n3A_199, %select_n3A_197 : i32
        %add3A_201 = arith.constant 0 : i32
        %add3A_202 = arith.addi %select_n3A_200, %add3A_201 : i32
        %add3A_203 = arith.constant 1 : i32
        %add3A_204 = arith.addi %select_n3A_200, %add3A_203 : i32
        %select_n3A_205 = arith.constant true
        %select_n3A_206 = arith.select %select_n3A_205, %add3A_204, %select_n3A_200 : i32
        %eq3A_207 = arith.cmpi eq, %select_n3A_206, %max3A : i32
        %select_n3A_208 = arith.constant 0 : i32
        %select_n3A_209 = arith.select %eq3A_207, %select_n3A_208, %select_n3A_206 : i32
        %add3A_210 = arith.constant 0 : i32
        %add3A_211 = arith.addi %select_n3A_209, %add3A_210 : i32
        %convert_element_type3A_212 = arith.extui %eq3A_180 : i1 to i32
        %cond3A_213 = arith.constant 0 : i32
        %cond3A_214 = arith.cmpi ne, %convert_element_type3A_212, %cond3A_213 : i32
        scf.if %cond3A_214 {
        } else {
        }
        %convert_element_type3A_215 = arith.extui %eq3A_180 : i1 to i32
        %cond3A_216 = arith.constant 0 : i32
        %cond3A_217 = arith.cmpi ne, %convert_element_type3A_215, %cond3A_216 : i32
        scf.if %cond3A_217 {
        } else {
        }
      } else {
      }
      tpu.yield
    }) : () -> ()
    %get3A_15 = arith.constant 0 : index
    %get3A_16 = arith.constant 0 : index
    %get3A_17 = vector.load %arg19[%get3A_15, %get3A_16] : memref<16x256xf32, #tpu.memory_space<vmem>>, vector<16x256xf32>
    %get3A_18 = arith.constant 0 : index
    %get3A_19 = arith.constant 0 : index
    %get3A_20 = vector.load %arg10[%get3A_18, %get3A_19] : memref<16x1xf32, #tpu.memory_space<vmem>>, vector<16x1xf32>
    %div3A = vector.broadcast %get3A_20 : vector<16x1xf32> to vector<16x256xf32>
    %div3A_21 = arith.divf %get3A_17, %div3A : vector<16x256xf32>
    %get3A_22 = arith.constant 0 : index
    %get3A_23 = arith.constant 0 : index
    %get3A_24 = vector.load %arg20[%get3A_22, %get3A_23] : memref<16x256xf32, #tpu.memory_space<vmem>>, vector<16x256xf32>
    %get3A_25 = arith.constant 0 : index
    %get3A_26 = arith.constant 0 : index
    %get3A_27 = vector.load %arg11[%get3A_25, %get3A_26] : memref<16x1xf32, #tpu.memory_space<vmem>>, vector<16x1xf32>
    %div3A_28 = vector.broadcast %get3A_27 : vector<16x1xf32> to vector<16x256xf32>
    %div3A_29 = arith.divf %get3A_24, %div3A_28 : vector<16x256xf32>
    %sub3A = arith.subf %div3A_21, %div3A_29 : vector<16x256xf32>
    %abs3A = math.absf %sub3A : vector<16x256xf32>
    %mul3A_30 = arith.mulf %div3A_21, %div3A_29 : vector<16x256xf32>
    %concatenate3A = tpu.concatenate %div3A_21, %div3A_29, %abs3A, %mul3A_30 in 1 : vector<16x256xf32>, vector<16x256xf32>, vector<16x256xf32>, vector<16x256xf32> -> vector<16x1024xf32>
    %get3A_31 = arith.constant 0 : index
    %get3A_32 = arith.constant 0 : index
    %get3A_33 = vector.load %arg12[%get3A_31, %get3A_32] : memref<1024x512xf32, #tpu.memory_space<vmem>>, vector<1024x512xf32>
    %dot_general3A = arith.constant dense<0.000000e+00> : vector<16x512xf32>
    %dot_general3A_34 = tpu.matmul %concatenate3A, %get3A_33, %dot_general3A {dimension_numbers = #tpu.dot_dimension_numbers<[1], [0], [0], [1], [0, 0, 1, 1], [], []>, transpose_lhs_hint = false} : vector<16x1024xf32>, vector<1024x512xf32>, vector<16x512xf32> -> vector<16x512xf32>
    %get3A_35 = arith.constant 0 : index
    %get3A_36 = arith.constant 0 : index
    %get3A_37 = vector.load %arg13[%get3A_35, %get3A_36] : memref<1x512xf32, #tpu.memory_space<vmem>>, vector<1x512xf32>
    %add3A = vector.broadcast %get3A_37 : vector<1x512xf32> to vector<16x512xf32>
    %add3A_38 = arith.addf %dot_general3A_34, %add3A : vector<16x512xf32>
    %max3A_39 = arith.constant 0.000000e+00 : f32
    %max3A_40 = vector.broadcast %max3A_39 : f32 to vector<16x512xf32>
    %max3A_41 = arith.maximumf %add3A_38, %max3A_40 : vector<16x512xf32>
    %get3A_42 = arith.constant 0 : index
    %get3A_43 = arith.constant 0 : index
    %get3A_44 = vector.load %arg14[%get3A_42, %get3A_43] : memref<512x128xf32, #tpu.memory_space<vmem>>, vector<512x128xf32>
    %dot_general3A_45 = arith.constant dense<0.000000e+00> : vector<16x128xf32>
    %dot_general3A_46 = tpu.matmul %max3A_41, %get3A_44, %dot_general3A_45 {dimension_numbers = #tpu.dot_dimension_numbers<[1], [0], [0], [1], [0, 0, 1, 1], [], []>, transpose_lhs_hint = false} : vector<16x512xf32>, vector<512x128xf32>, vector<16x128xf32> -> vector<16x128xf32>
    %get3A_47 = arith.constant 0 : index
    %get3A_48 = arith.constant 0 : index
    %get3A_49 = vector.load %arg15[%get3A_47, %get3A_48] : memref<1x128xf32, #tpu.memory_space<vmem>>, vector<1x128xf32>
    %add3A_50 = vector.broadcast %get3A_49 : vector<1x128xf32> to vector<16x128xf32>
    %add3A_51 = arith.addf %dot_general3A_46, %add3A_50 : vector<16x128xf32>
    %swap3A_52 = arith.constant 0 : index
    %swap3A_53 = arith.constant 0 : index
    %swap3A_54 = vector.load %arg16[%swap3A_52, %swap3A_53] : memref<16x128xf32, #tpu.memory_space<vmem>>, vector<16x128xf32>
    tpu.vector_store %arg16[%swap3A_52, %swap3A_53], %add3A_51 {strides = array<i32>} : memref<16x128xf32, #tpu.memory_space<vmem>>, vector<16x128xf32>,
    return
  }
  func.func @transform_2(%arg0: i32, %arg1: memref<64xi32, #tpu.memory_space<smem>>, %arg2: memref<64xi32, #tpu.memory_space<smem>>, %arg3: memref<64xi32, #tpu.memory_space<smem>>, %arg4: memref<64xi32, #tpu.memory_space<smem>>, %arg5: memref<2xi32, #tpu.memory_space<smem>>, %arg6: memref<16xi32, #tpu.memory_space<smem>>, %arg7: memref<16xi32, #tpu.memory_space<smem>>) -> (i32, i32) {
    %c0_i32 = arith.constant 0 : i32
    %c0_i32_0 = arith.constant 0 : i32
    %c0_i32_1 = arith.constant 0 : i32
    return %c0_i32, %c0_i32_0 : i32, i32
  }
  func.func @transform_3(%arg0: i32, %arg1: memref<64xi32, #tpu.memory_space<smem>>, %arg2: memref<64xi32, #tpu.memory_space<smem>>, %arg3: memref<64xi32, #tpu.memory_space<smem>>, %arg4: memref<64xi32, #tpu.memory_space<smem>>, %arg5: memref<2xi32, #tpu.memory_space<smem>>, %arg6: memref<16xi32, #tpu.memory_space<smem>>, %arg7: memref<16xi32, #tpu.memory_space<smem>>) -> (i32, i32) {
    %c0_i32 = arith.constant 0 : i32
    %c0_i32_0 = arith.constant 0 : i32
    %c0_i32_1 = arith.constant 0 : i32
    return %c0_i32, %c0_i32_0 : i32, i32
  }
  func.func @transform_4(%arg0: i32, %arg1: memref<64xi32, #tpu.memory_space<smem>>, %arg2: memref<64xi32, #tpu.memory_space<smem>>, %arg3: memref<64xi32, #tpu.memory_space<smem>>, %arg4: memref<64xi32, #tpu.memory_space<smem>>, %arg5: memref<2xi32, #tpu.memory_space<smem>>, %arg6: memref<16xi32, #tpu.memory_space<smem>>, %arg7: memref<16xi32, #tpu.memory_space<smem>>) -> (i32, i32) {
    %c0_i32 = arith.constant 0 : i32
    %c0_i32_0 = arith.constant 0 : i32
    %c0_i32_1 = arith.constant 0 : i32
    return %c0_i32, %c0_i32_0 : i32, i32
  }
  func.func @transform_5(%arg0: i32, %arg1: memref<64xi32, #tpu.memory_space<smem>>, %arg2: memref<64xi32, #tpu.memory_space<smem>>, %arg3: memref<64xi32, #tpu.memory_space<smem>>, %arg4: memref<64xi32, #tpu.memory_space<smem>>, %arg5: memref<2xi32, #tpu.memory_space<smem>>, %arg6: memref<16xi32, #tpu.memory_space<smem>>, %arg7: memref<16xi32, #tpu.memory_space<smem>>) -> (i32, i32) {
    %c0_i32 = arith.constant 0 : i32
    %c0_i32_0 = arith.constant 0 : i32
    %c0_i32_1 = arith.constant 0 : i32
    return %c0_i32, %c0_i32_0 : i32, i32
  }
  func.func @transform_6(%arg0: i32, %arg1: memref<64xi32, #tpu.memory_space<smem>>, %arg2: memref<64xi32, #tpu.memory_space<smem>>, %arg3: memref<64xi32, #tpu.memory_space<smem>>, %arg4: memref<64xi32, #tpu.memory_space<smem>>, %arg5: memref<2xi32, #tpu.memory_space<smem>>, %arg6: memref<16xi32, #tpu.memory_space<smem>>, %arg7: memref<16xi32, #tpu.memory_space<smem>>) -> (i32, i32) {
    %c0_i32 = arith.constant 0 : i32
    %c0_i32_0 = arith.constant 0 : i32
    %c0_i32_1 = arith.constant 0 : i32
    return %c0_i32, %c0_i32_0 : i32, i32
  }
  func.func @transform_7(%arg0: i32, %arg1: memref<64xi32, #tpu.memory_space<smem>>, %arg2: memref<64xi32, #tpu.memory_space<smem>>, %arg3: memref<64xi32, #tpu.memory_space<smem>>, %arg4: memref<64xi32, #tpu.memory_space<smem>>, %arg5: memref<2xi32, #tpu.memory_space<smem>>, %arg6: memref<16xi32, #tpu.memory_space<smem>>, %arg7: memref<16xi32, #tpu.memory_space<smem>>) -> (i32, i32) {
    %c0_i32 = arith.constant 0 : i32
    %c0_i32_0 = arith.constant 0 : i32
    %c0_i32_1 = arith.constant 0 : i32
    return %c0_i32, %c0_i32_0 : i32, i32
  }
  func.func @transform_8(%arg0: i32, %arg1: memref<64xi32, #tpu.memory_space<smem>>, %arg2: memref<64xi32, #tpu.memory_space<smem>>, %arg3: memref<64xi32, #tpu.memory_space<smem>>, %arg4: memref<64xi32, #tpu.memory_space<smem>>, %arg5: memref<2xi32, #tpu.memory_space<smem>>, %arg6: memref<16xi32, #tpu.memory_space<smem>>, %arg7: memref<16xi32, #tpu.memory_space<smem>>) -> (i32, i32) {
    %c0_i32 = arith.constant 0 : i32
    %c0_i32_0 = arith.constant 0 : i32
    %c0_i32_1 = arith.constant 0 : i32
    return %c0_i32, %c0_i32_0 : i32, i32
  }
}

</mosaic_0001>

<sc_bundles>
// kernel: scatter_offload_async_start.1
scs
__scs_entry_jumppad:
0x0: {  	(pc) =	sbr.rel $0x88, $3  }
0x1: {  	(tag) =	ssettag $0x0;
	lr =	simm.s32 $0x1  }
0x2: {  	[smem:$0x3F99] =	sst lr;
	_ =	strace $0xD0000000  }
0x3: {  	_ = 	snop  }
0x4: {  	_ = 	snop  }
0x5: {  	_ = 	snop  }
0x6: {  	_ = 	snop  }
0x7: {  	_ = 	snop  }
__scs_overlays_trampoline_lowered:
0x8: {  	[smem:$0x3FA8] =	sst s0  }
0x9: {  	[smem:$0x3FA9] =	sst s1  }
0xa: {  	[smem:$0x3FAA] =	sst s2  }
0xb: {  	[smem:$0x3FAB] =	sst s3  }
0xc: {  	[smem:$0x3FAC] =	sst s4  }
0xd: {  	[smem:$0x3FAD] =	sst s5  }
0xe: {  	[smem:$0x3FAE] =	sst s6  }
0xf: {  	[smem:$0x3FAF] =	sst s7  }
0x10: {  	[smem:$0x3FB0] =	sst s8  }
0x11: {  	[smem:$0x3FB1] =	sst s9;
	s0 =	simm.s32 @!p0 $0x0  }
0x12: {  	s1 =	sld [smem:$0x3F97];
	s0 =	simm.s32 @p0 $0x1  }
0x13: {  	[smem:$0x3FB2] =	sst s0;
	s0 =	simm.s32 @!p1 $0x0  }
0x14: {  	s2 =	sld [smem:$0x3F96];
	s0 =	simm.s32 @p1 $0x1  }
0x15: {  	[smem:$0x3FB3] =	sst s0;
	s0 =	simm.s32 @!p2 $0x0  }
0x16: {  	s3 =	sld [smem:$0x3FDB];
	s0 =	simm.s32 @p2 $0x1  }
0x17: {  	s4 =	simm.s32 $0x1BF5;
	[smem:$0x3FB5] =	sst s0  }
0x18: {  	s0 =	sld [smem:$0x3F98];
	_ =	swait.ge [sflag:s4], $0x0  }
0x19: {  	s7 =	sld [smem:$0x3F99]  }
0x1a: {  	s8 =	sadd.s32 $0xFFFFE003, lr  }
0x1b: {  	s9 =	sadd.s32 $0xFFFFFEF7, lr;
	s5 =	simm.s32 $0xFFFFFFFF;
	p2 =	slt.u32 s8, $0xFFFFF086  }
0x1c: {  	p1 =	slt.u32 s9, $0xF7A;
	s5 =	simm.s32 @!p2 $0x0  }
0x1d: {  	s5 =	simm.s32 @p1 $0x1;
	p0 =	seq.s32 s7, s2  }
0x1e: {  	s7 =	smul.u32 @!p0 $0xF7A, s2;
	p2 =	seq.s32 @!p0 s5, $0x0  }
0x1f: {  	s9 =	smul.u32 $0xF7A, s1;
	s8 =	simm.s32 @!p0 $0x1BF5;
	p2 =	por !p2, p0  }
0x20: {  	[sflag:s8] =	ssyncset.s32 @!p0 $0xFFFFF086;
	s6 =	sadd.s32 @!p0 s3, s7;
	s7 =	simm.s32 @!p0 $0x108  }
0x21: {  	s3 =	sadd.s32 s3, s9;
	s6 =	sadd.s32 @!p0 $0x88, s6;
	s7 =	simm.s32 @p2 $0x1082  }
0x22: {  	[simem:s7], [sflag:s8] =	dma.local @!p0 [hbm:s6], $0xF7A  }
0x23: {  	s9 =	sor.u32 $0xD0000000, s2;
	s6 =	simm.s32 $0x108;
	_ =	swait.ge @!p0 [sflag:s8], $0x0  }
0x24: {  	s3 =	sadd.s32 $0x88, s3;
	s6 =	simm.s32 @!p1 $0x1082;
	[sflag:s4] =	ssyncset.s32 $0xFFFFF086  }
0x25: {  	[simem:s6], [sflag:s4] =	dma.local [hbm:s3], $0xF7A  }
0x26: {  	[smem:$0x3F99] =	sst s1;
	(tag) =	ssettag s2;
	_ =	strace s9  }
0x27: {  	s1 =	sld [smem:$0x3FA9]  }
0x28: {  	s2 =	sld [smem:$0x3FAA]  }
0x29: {  	s4 =	sld [smem:$0x3FAC]  }
0x2a: {  	p0 =	seq.s32 s5, $0x0;
	s5 =	sld [smem:$0x3FAD]  }
0x2b: {  	s6 =	sld [smem:$0x3FAE]  }
0x2c: {  	s7 =	sld [smem:$0x3FAF]  }
0x2d: {  	s3 =	simm.s32 $0x108;
	s8 =	sld [smem:$0x3FB0]  }
0x2e: {  	s3 =	simm.s32 @!p0 $0x1082;
	s9 =	sld [smem:$0x3FB1]  }
0x2f: {  	lr =	sadd.s32 s0, s3;
	s0 =	sld [smem:$0x3FA8]  }
0x30: {  	s3 =	sld [smem:$0x3FAB]  }
0x31: {  	[smem:$0x3FB4] =	sst s10  }
0x32: {  	s10 =	sld [smem:$0x3FB2];
	_ =	sdelay $0x3  }
0x33: {  	p0 =	seq.s32 s10, $0x1;
	s10 =	sld [smem:$0x3FB4];
	_ =	sdelay $0x3  }
0x34: {  	[smem:$0x3FB4] =	sst s10  }
0x35: {  	s10 =	sld [smem:$0x3FB3];
	_ =	sdelay $0x3  }
0x36: {  	p1 =	seq.s32 s10, $0x1;
	s10 =	sld [smem:$0x3FB4];
	_ =	sdelay $0x3  }
0x37: {  	[smem:$0x3FB4] =	sst s10  }
0x38: {  	s10 =	sld [smem:$0x3FB5]  }
0x39: {  	_ = 	snop;
	(pc) =	sbr.ind lr, $3  }
0x3a: {  	_ = 	snop  }
0x3b: {  	_ = 	snop  }
0x3c: {  	p2 =	seq.s32 s10, $0x1;
	s10 =	sld [smem:$0x3FB4]  }
0x3d: {  	_ =	shalt  }
0x3e: {  	_ =	shalt  }
0x3f: {  	_ =	shalt  }
0x40: {  	_ =	shalt  }
0x41: {  	_ =	shalt  }
0x42: {  	_ =	shalt  }
0x43: {  	_ =	shalt  }
0x44: {  	_ =	shalt  }
0x45: {  	_ =	shalt  }
0x46: {  	_ =	shalt  }
0x47: {  	_ =	shalt  }
0x48: {  	_ =	shalt  }
0x49: {  	_ =	shalt  }
0x4a: {  	_ =	shalt  }
0x4b: {  	_ =	shalt  }
0x4c: {  	_ =	shalt  }
0x4d: {  	_ =	shalt  }
0x4e: {  	_ =	shalt  }
0x4f: {  	_ =	shalt  }
0x50: {  	_ =	shalt  }
0x51: {  	_ =	shalt  }
0x52: {  	_ =	shalt  }
0x53: {  	_ =	shalt  }
0x54: {  	_ =	shalt  }
0x55: {  	_ =	shalt  }
0x56: {  	_ =	shalt  }
0x57: {  	_ =	shalt  }
0x58: {  	_ =	shalt  }
0x59: {  	_ =	shalt  }
0x5a: {  	_ =	shalt  }
0x5b: {  	_ =	shalt  }
0x5c: {  	_ =	shalt  }
0x5d: {  	_ =	shalt  }
0x5e: {  	_ =	shalt  }
0x5f: {  	_ =	shalt  }
0x60: {  	_ =	shalt  }
0x61: {  	_ =	shalt  }
0x62: {  	_ =	shalt  }
0x63: {  	_ =	shalt  }
0x64: {  	_ =	shalt  }
0x65: {  	_ =	shalt  }
0x66: {  	_ =	shalt  }
0x67: {  	_ =	shalt  }
0x68: {  	_ =	shalt  }
0x69: {  	_ =	shalt  }
0x6a: {  	_ =	shalt  }
0x6b: {  	_ =	shalt  }
0x6c: {  	_ =	shalt  }
0x6d: {  	_ =	shalt  }
0x6e: {  	_ =	shalt  }
0x6f: {  	_ =	shalt  }
0x70: {  	_ =	shalt  }
0x71: {  	_ =	shalt  }
0x72: {  	_ =	shalt  }
0x73: {  	_ =	shalt  }
0x74: {  	_ =	shalt  }
0x75: {  	_ =	shalt  }
0x76: {  	_ =	shalt  }
0x77: {  	_ =	shalt  }
0x78: {  	_ =	shalt  }
0x79: {  	_ =	shalt  }
0x7a: {  	_ =	shalt  }
0x7b: {  	_ =	shalt  }
0x7c: {  	_ =	shalt  }
0x7d: {  	_ =	shalt  }
0x7e: {  	_ =	shalt  }
0x7f: {  	_ =	shalt  }
0x80: {  	_ =	shalt  }
0x81: {  	_ =	shalt  }
0x82: {  	_ =	shalt  }
0x83: {  	_ =	shalt  }
0x84: {  	_ =	shalt  }
0x85: {  	_ =	shalt  }
0x86: {  	_ =	shalt  }
0x87: {  	_ =	shalt  }
.Lfunc_end0:
.L_simem_size_0:
called_computation.1_lowered:
.L_overlay_start_0:
0x88: {  	s0 =	sld [smem:$0x3FD9]  }
0x89: {  	s1 =	sld [smem:$0x3FFE];
	_ =	sdelay $0x3  }
0x8a: {  	s0 =	sadd.s32 s1, s0  }
0x8b: {  	[smem:$0x3FC0] =	sst s0  }
0x8c: {  	_ = 	snop  }
0x8d: {  	s14 =	sld [smem:$0x3FD0];
	(tm) =	ssettm $0x1  }
0x8e: {  	s15 =	sld [smem:$0x3FFB];
	_ =	sdelay $0x3  }
0x8f: {  	_ =	strace s15  }
0x90: {  	s0 =	sld [smem:$0x3FFC];
	_ =	sdelay $0x3  }
0x91: {  	_ =	strace s0  }
0x92: {  	s0 =	sld [smem:$0x3FFD];
	_ =	sdelay $0x3  }
0x93: {  	_ =	strace s0  }
0x94: {  	_ =	strace $0x8FFFFFFF  }
0x95: {  	s16 =	sld [smem:$0x3FDB];
	_ =	sdelay $0x1  }
0x96: {  	s2 =	simm.s32 $_scs_section_size  }
0x97: {  	s3 =	simm.s32 $_size__tile_overlayer_lowered;
	s4 =	simm.s32 $_tile_overlayer_lowered  }
0x98: {  	s5 =	simm.s32 $0x1BFF;
	s17 =	sshll.u32 s4, $0x1;
	s2 =	sadd.s32 s2, s16  }
0x99: {  	s18 =	simm.s32 $0x0;
	s3 =	sshll.u32 s3, $0x1;
	s4 =	sadd.s32 s17, s2  }
0x9a: {  	[timem:s18], [sflag:s5] =	dma.local [hbm:s4], s3  }
0x9b: {  	_ =	swait.ge [sflag:s5], s3  }
0x9c: {  	s3 =	ssub.s32 $0x0, s3;
	[sflag:s5] =	ssyncset.done $0x0  }
0x9d: {  	[sflag:s5] =	ssyncadd.s32 s3;
	_ =	sdelay $0x1  }
0x9e: {  	s19 =	simm.s32 $0x1B8B  }
0x9f: {  	_ =	swait.ge [sflag:s19], $0x1  }
0xa0: {  	[sflag:s19] =	ssyncset.done $0x0  }
0xa1: {  	s21 =	simm.s32 $0x1B8E;
	s20 =	sld [smem:$0x3FFE];
	[sflag:s19] =	ssyncadd.s32 $0xFFFFFFFF  }
0xa2: {  	s22 =	simm.s32 $execute0_lowered;
	[smem:$0x3FD2] =	sst s21  }
0xa3: {  	s4 =	sshll.u32 s22, $0x1;
	_ =	strace $0x80000046;
	[dreg:$0x1] =	wrdreg $0xFFFFFFFF  }
0xa4: {  	s23 =	simm.s32 $_size_execute0_lowered;
	s4 =	sadd.s32 s2, s4;
	[dreg:$0x0] =	wrdreg $0x0  }
0xa5: {  	s5 =	sshll.u32 s23, $0x1;
	[dreg:$0x2] =	wrdreg s4  }
0xa6: {  	[dreg:$0x3] =	wrdreg s5  }
0xa7: {  	[dreg:$0x4] =	wrdreg $0xC0  }
0xa8: {  	s24 =	simm.s32 $execute1_lowered;
	_ =	task [dreg:s18], $0x5FFFF  }
0xa9: {  	s4 =	sshll.u32 s24, $0x1;
	[dreg:$0x1] =	wrdreg $0xFFFFFFFF  }
0xaa: {  	s2 =	sadd.s32 s2, s4;
	[dreg:$0x0] =	wrdreg $0x60  }
0xab: {  	[dreg:$0x2] =	wrdreg s2  }
0xac: {  	[dreg:$0x3] =	wrdreg s14  }
0xad: {  	[dreg:$0x4] =	wrdreg s20  }
0xae: {  	[dreg:$0x5] =	wrdreg $0x9  }
0xaf: {  	_ =	task.clear_ibuf [dreg:s18], $0x6FFFF;
	_ =	strace $0x90000046  }
0xb0: {  	s25 =	simm.s32 $0x9;
	_ =	strace $0x80000048  }
0xb1: {  	_ =	swait.ge [sflag:s25], $0x1  }
0xb2: {  	[sflag:s25] =	ssyncadd.s32 $0xFFFFFFFF  }
0xb3: {  	_ =	strace $0x90000048  }
0xb4: {  	_ =	strace $0x80000049;
	[dreg:$0x1] =	wrdreg $0xFFFFFFFF  }
0xb5: {  	[dreg:$0x0] =	wrdreg $0x2030  }
0xb6: {  	[dreg:$0x2] =	wrdreg s20  }
0xb7: {  	[dreg:$0x3] =	wrdreg $0xA  }
0xb8: {  	_ =	task.clear_ibuf [dreg:s18], $0x4FFFF;
	_ =	strace $0x90000049  }
0xb9: {  	s26 =	simm.s32 $0xA;
	_ =	strace $0x8000004B  }
0xba: {  	_ =	swait.ge [sflag:s26], $0x1  }
0xbb: {  	[sflag:s26] =	ssyncadd.s32 $0xFFFFFFFF  }
0xbc: {  	_ =	strace $0x9000004B  }
0xbd: {  	_ =	sfence  }
0xbe: {  	s28 =	sld [smem:$0x0];
	_ =	sdelay $0x1  }
0xbf: {  	s29 =	srdreg.scid  }
0xc0: {  	s30 =	sshll.u32 s29, $0xD;
	s31 =	sshrl.u32 s29, $0x2  }
0xc1: {  	s3 =	sand.u32 $0x4000, s30;
	s2 =	sand.u32 $0x1, s29;
	s1 =	sadd.s32 s31, s28  }
0xc2: {  	s2 =	sor.u32 s3, s2;
	s1 =	sshll.u32 s1, $0x11  }
0xc3: {  	s1 =	sor.u32 s1, s2  }
0xc4: {  	s1 =	sadd.s32 $0x8F2B, s1  }
0xc5: {  	[sflag:s1] =	ssyncadd.remote.s32 $0x1  }
0xc6: {  	_ =	sfence.sel $0xFFFF  }
0xc7: {  	[dreg:$0x0] =	wrdreg $0xFFFFFFFF;
	(pc) =	sbr.abs _section_cstart, $3  }
0xc8: {  	[dreg:$0x1] =	wrdreg $0xFFFFFFFF  }
0xc9: {  	_ =	task.clear_ibuf [dreg:s18], $0x2FFFF;
	_ =	strace $0x9FFFFFFF  }
0xca: {  	(tm) =	ssettm $0x7FFFFFFF  }
0xcb: {  	_ =	shalt  }
tec
execute0_lowered:
.L_overlay_start_1:
0x0: {  	(tag) =	ssettag $0x1  }
0x1: {  	s3 =	rddreg [dreg:$0x0]  }
0x2: {  	s6 =	rddreg [dreg:$0x1]  }
0x3: {  	s5 =	rddreg [dreg:$0x2]  }
0x4: {  	s0 =	rddreg [dreg:$0x3];
	s2 =	stileid.u32;
	s1 =	simm.s32 $_size_execute1_lowered  }
0x5: {  	[bflag:$0x3] =	sbarrier.arrive $0xFFFF;
	p0 =	sne.s32 s2, $0x0;
	s1 =	sshll.u32 s1, $0x1  }
0x6: {  	s31 =	sshll.u32 s2, $0x3;
	s4 =	simm.s32 @!p0 $0x1C3F;
	s7 =	simm.s32 @!p0 $0x4060  }
0x7: {  	[timem:s7], [sflag:s4] =	dma.local @!p0 [hbm:s3], s1  }
0x8: {  	s7 =	ssub.s32 $0x40, s31  }
0x9: {  	p1 =	sgt.s32 s7, $0x0  }
0xa: {  	s7 =	simm.s32 @!p1 $0x0  }
0xb: {  	s7 =	sand.u32 $0x78, s7  }
0xc: {  	s10 =	simm.s32 $0x3;
	p1 =	sne.s32 s7, $0x0  }
0xd: {  	s10 =	simm.s32 @!p1 $0x2  }
0xe: {  	p3 =	sne.s32 s10, $0x1  }
.Ltmp0:
0xf: {  	s9 =	simm.s32 $0x0;
	s8 =	simm.s32 $0x1;
	(pc) =	sbr.rel @!p3 .LBB2_1-.Ltmp0, $4  }
0x10: {  	s13 =	simm.s32 $0xFFFFFFFF;
	s5 =	sadd.s32 $0x600, s5;
	s6 =	sadd.s32 s2, s6  }
0x11: {  	s3 =	simm.s32 $0x1;
	_ =	strace $0x80000047;
	s7 =	simm.s32 $0x1  }
0x12: {  	s4 =	simm.s32 $0x2;
	[sflag:s3] =	ssyncpa.u1 $0x0;
	s7 =	simm.s32 @!p1 $0x0  }
0x13: {  	[sflag:s4] =	ssyncpa.u1 $0x0;
	p1 =	por $0x0, $0x0;
	p2 =	sle.u32 s7, $0x0  }
0x14: {  	p1 =	sle.u32 s7, $0xFFFFFFFF  }
0x15: {  	s11 =	simm.s32 @!p2 $0x8;
	s12 =	simm.s32 @!p2 $0x0;
	s13 =	simm.s32 @!p1 $0x1  }
0x16: {  	[tilespmem:s11], [sflag:$0x1] =	stream.linear.gather @!p2 [hbm4b:s6+s12], $0x8, $0x38;
	[tilespmem:$0x20] =	vst v63  }
0x17: {  	_ =	swait.ge @!p1 [sflag:s13], $0x8  }
0x18: {  	[sflag:s13] =	ssyncset.done @!p1 $0x0  }
0x19: {  	s9 =	sand.u32 @!p1 $0x8, s9;
	[sflag:s13] =	ssyncadd.s32 @!p1 $0xFFFFFFF8  }
0x1a: {  	v0 =	vld.msk @!p1 [tilespmem:s9+$0x0], $0xff;
	_ =	sdelay $0x2  }
0x1b: {  	p4 =	sne.s32 s10, $0x2  }
.Ltmp1:
0x1c: {  	p3 =	por $0x1, $0x1;
	s9 =	sor.u32 @!p1 $0x10, s9;
	(pc) =	sbr.rel @!p4 .LBB2_4-.Ltmp1, $4  }
0x1d: {  	s11 =	simm.s32 $0x2;
	s12 =	sadd.s32 @!p1 s5, s2;
	s13 =	simm.s32 @!p1 $0x0;
	[tilespmem:s9+$0x0] =	vst.msk @!p1 $0xff, v0  }
0x1e: {  	[hbm4b:s12+s13] =	stream.linear.scatter @!p1 [tilespmem:s9], [sflag:$0x2], $0x8, $0x38;
	[tilespmem:$0x20] =	vst v63  }
0x1f: {  	p2 =	sle.u32 s7, $0x1;
	s12 =	simm.s32 @!p3 $0x2;
	s9 =	simm.s32 $0x8  }
0x20: {  	s13 =	simm.s32 $0x0;
	p1 =	por $0x1, $0x1;
	_ =	swait.ge @!p3 [sflag:s12], $0x8  }
.LBB2_3:
0x21: {  	s14 =	simm.s32 @!p2 $0x8;
	p4 =	sge.u32 s13, s7;
	[sflag:s12] =	ssyncset.done @!p3 $0x0  }
0x22: {  	s13 =	simm.s32 @!p2 $0x0;
	s15 =	simm.s32 @!p4 $0x1;
	[sflag:s12] =	ssyncadd.s32 @!p3 $0xFFFFFFF8  }
0x23: {  	[tilespmem:s14], [sflag:$0x1] =	stream.linear.gather @!p2 [hbm4b:s6+s13], $0x8, $0x38;
	[tilespmem:$0x20] =	vst v63  }
0x24: {  	s13 =	smov.u32 s11;
	s11 =	sadd.s32 $0x1, s11;
	_ =	swait.ge @!p4 [sflag:s15], $0x8  }
0x25: {  	s12 =	sand.u32 @!p4 $0x8, s9;
	p5 =	sne.s32 s11, s10;
	[sflag:s15] =	ssyncset.done @!p4 $0x0  }
0x26: {  	[sflag:s15] =	ssyncadd.s32 @!p4 $0xFFFFFFF8  }
0x27: {  	v0 =	vld.msk @!p4 [tilespmem:s12+$0x0], $0xff;
	_ =	sdelay $0x2  }
.Ltmp2:
0x28: {  	s14 =	sor.u32 @!p4 $0x10, s12;
	(pc) =	sbr.rel @p5 .LBB2_3-.Ltmp2, $4  }
0x29: {  	s16 =	simm.s32 @!p4 $0x0;
	p3 =	slt.u32 s8, $0x2;
	s15 =	sadd.s32 @!p4 s5, s2  }
0x2a: {  	s9 =	sadd.s32 $0x8, s9;
	s8 =	smov.u32 s13;
	s12 =	simm.s32 @!p3 $0x2;
	[tilespmem:s14+$0x0] =	vst.msk @!p4 $0xff, v0  }
0x2b: {  	[hbm4b:s15+s16] =	stream.linear.scatter @!p4 [tilespmem:s14], [sflag:$0x2], $0x8, $0x38;
	[tilespmem:$0x20] =	vst v63  }
0x2c: {  	p2 =	sge.u32 s8, s7;
	s13 =	sadd.s32 $0xFFFFFFFF, s8;
	_ =	swait.ge @!p3 [sflag:s12], $0x8  }
.LBB2_4:
0x2d: {  	p3 =	por p3, !p1  }
0x2e: {  	s10 =	simm.s32 @!p2 $0x8;
	p1 =	sge.u32 s13, s7;
	[sflag:s12] =	ssyncset.done @!p3 $0x0  }
0x2f: {  	s7 =	simm.s32 @!p2 $0x0;
	s11 =	simm.s32 @!p1 $0x1;
	[sflag:s12] =	ssyncadd.s32 @!p3 $0xFFFFFFF8  }
0x30: {  	[tilespmem:s10], [sflag:$0x1] =	stream.linear.gather @!p2 [hbm4b:s6+s7], $0x8, $0x38;
	[tilespmem:$0x20] =	vst v63  }
0x31: {  	_ =	swait.ge @!p1 [sflag:s11], $0x8  }
0x32: {  	[sflag:s11] =	ssyncset.done @!p1 $0x0  }
0x33: {  	s6 =	sand.u32 @!p1 $0x8, s9;
	[sflag:s11] =	ssyncadd.s32 @!p1 $0xFFFFFFF8  }
0x34: {  	v0 =	vld.msk @!p1 [tilespmem:s6+$0x0], $0xff;
	_ =	sdelay $0x3  }
0x35: {  	p2 =	slt.u32 s8, $0x2;
	s6 =	sor.u32 @!p1 $0x10, s6  }
0x36: {  	s2 =	sadd.s32 @!p1 s5, s2;
	s5 =	simm.s32 @!p1 $0x0;
	s7 =	simm.s32 @!p2 $0x2;
	[tilespmem:s6+$0x0] =	vst.msk @!p1 $0xff, v0  }
0x37: {  	[hbm4b:s2+s5] =	stream.linear.scatter @!p1 [tilespmem:s6], [sflag:$0x2], $0x8, $0x38;
	[tilespmem:$0x20] =	vst v63  }
0x38: {  	_ =	swait.ge @!p2 [sflag:s7], $0x8  }
0x39: {  	[sflag:s7] =	ssyncset.done @!p2 $0x0  }
0x3a: {  	[sflag:s7] =	ssyncadd.s32 @!p2 $0xFFFFFFF8  }
0x3b: {  	_ =	sfence.sel $0x180000  }
0x3c: {  	[bflag:$0x0] =	sbarrier.arrive $0xFFFF  }
0x3d: {  	[sflag:s3] =	ssyncpa.u1 $0x1  }
0x3e: {  	[sflag:s4] =	ssyncpa.u1 $0x1  }
0x3f: {  	_ =	strace $0x90000047  }
0x40: {  	s0 =	sadd.s32 @!p0 $0x100000, s0;
	[bflag:$0x2] =	sbarrier.arrive $0xFFFF  }
0x41: {  	[sflag:s0] =	ssyncadd.tile.s32 @!p0 $0x1;
	s0 =	simm.s32 @!p0 $0x3F  }
0x42: {  	_ =	swait.ge @!p0 [sflag:s0], s1  }
0x43: {  	s1 =	ssub.s32 @!p0 $0x0, s1;
	[sflag:s0] =	ssyncset.done @!p0 $0x0  }
0x44: {  	[sflag:s0] =	ssyncadd.s32 @!p0 s1  }
0x45: {  	[bflag:$0x3] =	sbarrier.arrive $0xFFFF  }
0x46: {  	_ =	shalt  }
.LBB2_1:
.Ltmp3:
0x47: {  	(pc) =	sbr.rel .LBB2_4-.Ltmp3, $2  }
0x48: {  	_ =	sdelay $0x2  }
0x49: {  	s8 =	simm.s32 $0x0  }
.Lfunc_end2:
execute1_lowered:
.L_overlay_start_2:
0x4a: {  	(tag) =	ssettag $0x2  }
0x4b: {  	s5 =	rddreg [dreg:$0x0]  }
0x4c: {  	s0 =	rddreg [dreg:$0x1]  }
0x4d: {  	_ =	strace $0x8000004A;
	s2 =	stileid.u32;
	s3 =	simm.s32 $0x3E  }
0x4e: {  	s1 =	sadd.s32 $0x600, s5;
	p0 =	sne.s32 s2, $0x0;
	[sflag:s3] =	ssyncpa.u1 $0x0  }
0x4f: {  	s4 =	simm.s32 @!p0 $0x1C3E;
	s2 =	simm.s32 @!p0 $0x0;
	s6 =	simm.s32 @!p0 $0x0  }
0x50: {  	[spmem:s2], [sflag:s4] =	dma.local @!p0 [hbm:s1], $0x10  }
0x51: {  	s6 =	simm.s32 @p0 $0x10  }
0x52: {  	s7 =	ssub.s32 $0x10, s6  }
0x53: {  	s4 =	simm.s32 @!p0 $0x3E;
	s7 =	sshrl.u32 s7, $0x4  }
0x54: {  	_ =	swait.ge @!p0 [sflag:s4], $0x10;
	s8 =	sadd.s32 $0x1, s7  }
0x55: {  	s9 =	sadd.s32 $0x200, s5;
	[sflag:s4] =	ssyncset.done @!p0 $0x0;
	p3 =	sne.s32 s8, $0x1  }
.Ltmp4:
0x56: {  	s10 =	sshrl.u32 s6, $0x3;
	[sflag:s4] =	ssyncadd.s32 @!p0 $0xFFFFFFF0;
	(pc) =	sbr.rel @!p3 .LBB3_5-.Ltmp4, $4  }
0x57: {  	p2 =	por $0x0, $0x0;
	s6 =	sadd.s32 s9, s10;
	[bflag:$0x0] =	sbarrier.arrive $0xFFFF  }
0x58: {  	s5 =	sadd.s32 s5, s10;
	[sflag:s3] =	ssyncpa.u1 $0x1;
	s3 =	simm.s32 $0x1  }
0x59: {  	s10 =	simm.s32 $0x0;
	s4 =	simm.s32 $0x2;
	[sflag:s3] =	ssyncpa.u1 $0x0  }
0x5a: {  	s9 =	simm.s32 $0x1;
	(ifvalue) =	ssetifvalue $0x80;
	[sflag:s4] =	ssyncpa.u1 $0x0  }
0x5b: {  	p2 =	sle.u32 s7, $0x0  }
0x5c: {  	s10 =	simm.s32 @!p2 $0x0;
	s11 =	simm.s32 @!p2 $0x18  }
0x5d: {  	[tilespmem:s11], [sflag:$0x2] =	stream.linear.gather @!p2 [hbm4b:s6+s10], $0x10, $0x38;
	[tilespmem:$0x48] =	vst v63  }
0x5e: {  	p1 =	por $0x1, $0x1;
	s11 =	simm.s32 @!p2 $0x38  }
0x5f: {  	[tilespmem:s11], [sflag:$0x2] =	stream.linear.gather @!p2 [hbm4b:s5+s10], $0x10, $0x38;
	[tilespmem:$0x48] =	vst v63  }
0x60: {  	s10 =	simm.s32 @!p1 $0x2  }
0x61: {  	_ =	swait.ge @!p1 [sflag:s10], $0x20  }
0x62: {  	[sflag:s10] =	ssyncset.done @!p1 $0x0  }
0x63: {  	s11 =	simm.s32 @!p1 $0x18;
	[sflag:s10] =	ssyncadd.s32 @!p1 $0xFFFFFFE0  }
0x64: {  	v0 =	vld.msk @!p1 [tilespmem:s11+$0x0 ss:$0x1], $0xffff;
	_ =	sdelay $0x4  }
0x65: {  	v0 =	vmin.u32 @!p1 v0, $0x80;
	_ =	sdelay $0x1  }
0x66: {  	p3 =	sne.s32 s8, $0x2  }
.Ltmp5:
0x67: {  	_ = 	snop;
	(pc) =	sbr.rel @!p3 .LBB3_2-.Ltmp5, $4  }
0x68: {  	vm0 =	vmmov @!p1 $0xffff;
	s10 =	simm.s32 @!p1 $0x38;
	s11 =	simm.s32 @!p1 $0x0  }
0x69: {  	[spmem:s11] =	stream.indirect_vreg.scatter.add.s32 @!p1 [tilespmem:s10], [sflag:$0x1], $0x1, v0, vm0, $0x4038;
	[tilespmem:$0x48] =	vst v63  }
0x6a: {  	s11 =	simm.s32 @!p1 $0x1  }
0x6b: {  	p2 =	por $0x1, $0x1;
	s10 =	simm.s32 $0x2;
	_ =	swait.ge @!p1 [sflag:s11], $0x10  }
.LBB3_3:
0x6c: {  	p4 =	sge.u32 s9, s7  }
0x6d: {  	[sflag:s11] =	ssyncset.done @!p1 $0x0;
	s12 =	smov.u32 s10;
	s10 =	sadd.s32 $0x1, s10  }
0x6e: {  	s13 =	simm.s32 @!p4 $0x0;
	s14 =	simm.s32 @!p4 $0x18;
	[sflag:s11] =	ssyncadd.s32 @!p1 $0xFFFFFFF0  }
0x6f: {  	[tilespmem:s14], [sflag:$0x2] =	stream.linear.gather @!p4 [hbm4b:s6+s13], $0x10, $0x38;
	[tilespmem:$0x48] =	vst v63  }
0x70: {  	p3 =	sne.s32 s8, s10;
	s11 =	simm.s32 @!p4 $0x38;
	p1 =	seq.s32 s9, $0x0  }
0x71: {  	[tilespmem:s11], [sflag:$0x2] =	stream.linear.gather @!p4 [hbm4b:s5+s13], $0x10, $0x38;
	[tilespmem:$0x48] =	vst v63  }
0x72: {  	s9 =	smov.u32 s12;
	s11 =	simm.s32 @!p1 $0x2  }
0x73: {  	_ =	swait.ge @!p1 [sflag:s11], $0x20  }
0x74: {  	s12 =	simm.s32 @!p1 $0x18;
	[sflag:s11] =	ssyncset.done @!p1 $0x0  }
0x75: {  	[sflag:s11] =	ssyncadd.s32 @!p1 $0xFFFFFFE0  }
0x76: {  	v0 =	vld.msk @!p1 [tilespmem:s12+$0x0 ss:$0x1], $0xffff;
	_ =	sdelay $0x5  }
0x77: {  	v0 =	vmin.u32 @!p1 v0, $0x80;
	_ =	sdelay $0x1  }
.Ltmp6:
0x78: {  	(pc) =	sbr.rel @p3 .LBB3_3-.Ltmp6, $4  }
0x79: {  	vm0 =	vmmov @!p1 $0xffff;
	s13 =	simm.s32 @!p1 $0x0;
	s12 =	simm.s32 @!p1 $0x38  }
0x7a: {  	s11 =	simm.s32 @!p1 $0x1  }
0x7b: {  	[spmem:s13] =	stream.indirect_vreg.scatter.add.s32 @!p1 [tilespmem:s12], [sflag:$0x1], $0x1, v0, vm0, $0x4038;
	[tilespmem:$0x48] =	vst v63  }
0x7c: {  	_ =	swait.ge @!p1 [sflag:s11], $0x10  }
0x7d: {  	s10 =	smov.u32 s9  }
.LBB3_5:
0x7e: {  	p1 =	por p1, !p2  }
0x7f: {  	p2 =	sge.u32 s10, s7;
	[sflag:s11] =	ssyncset.done @!p1 $0x0  }
0x80: {  	s7 =	simm.s32 @!p2 $0x0;
	s8 =	simm.s32 @!p2 $0x18;
	[sflag:s11] =	ssyncadd.s32 @!p1 $0xFFFFFFF0  }
0x81: {  	[tilespmem:s8], [sflag:$0x2] =	stream.linear.gather @!p2 [hbm4b:s6+s7], $0x10, $0x38;
	[tilespmem:$0x48] =	vst v63  }
0x82: {  	p1 =	seq.s32 s10, $0x0;
	s6 =	simm.s32 @!p2 $0x38  }
0x83: {  	[tilespmem:s6], [sflag:$0x2] =	stream.linear.gather @!p2 [hbm4b:s5+s7], $0x10, $0x38;
	[tilespmem:$0x48] =	vst v63  }
0x84: {  	s5 =	simm.s32 @!p1 $0x2  }
0x85: {  	_ =	swait.ge @!p1 [sflag:s5], $0x20  }
0x86: {  	[sflag:s5] =	ssyncset.done @!p1 $0x0  }
0x87: {  	s6 =	simm.s32 @!p1 $0x18;
	[sflag:s5] =	ssyncadd.s32 @!p1 $0xFFFFFFE0  }
0x88: {  	v0 =	vld.msk @!p1 [tilespmem:s6+$0x0 ss:$0x1], $0xffff;
	_ =	sdelay $0x4  }
0x89: {  	v0 =	vmin.u32 @!p1 v0, $0x80;
	_ =	sdelay $0x3  }
0x8a: {  	vm0 =	vmmov @!p1 $0xffff;
	s7 =	simm.s32 @!p1 $0x1;
	s5 =	simm.s32 @!p1 $0x38;
	s6 =	simm.s32 @!p1 $0x0  }
0x8b: {  	[spmem:s6] =	stream.indirect_vreg.scatter.add.s32 @!p1 [tilespmem:s5], [sflag:$0x1], $0x1, v0, vm0, $0x4038;
	[tilespmem:$0x48] =	vst v63  }
0x8c: {  	_ =	swait.ge @!p1 [sflag:s7], $0x10  }
0x8d: {  	[sflag:s7] =	ssyncset.done @!p1 $0x0  }
0x8e: {  	[sflag:s7] =	ssyncadd.s32 @!p1 $0xFFFFFFF0  }
0x8f: {  	_ =	sfence.sel $0x180000  }
0x90: {  	[bflag:$0x0] =	sbarrier.arrive $0xFFFF  }
0x91: {  	[sflag:s4] =	ssyncpa.u1 $0x1  }
0x92: {  	[sflag:s3] =	ssyncpa.u1 $0x1  }
0x93: {  	_ =	sfence.stream.spmem  }
0x94: {  	s31 =	simm.s32 $0x3D;
	[bflag:$0x0] =	sbarrier.arrive $0xFFFF  }
0x95: {  	s3 =	simm.s32 @p0 $0x3D;
	[sflag:s31] =	ssyncpa.u1 $0x0  }
0x96: {  	[sflag:s3] =	ssyncpa.u1 @p0 $0x1  }
0x97: {  	[bflag:$0x0] =	sbarrier.arrive @p0 $0xFFFF  }
0x98: {  	_ =	strace @p0 $0x9000004A  }
0x99: {  	s3 =	simm.s32 @!p0 $0x1C3D;
	[bflag:$0x2] =	sbarrier.arrive @p0 $0xFFFF  }
0x9a: {  	[hbm:s1], [sflag:s3] =	dma.local @!p0 [spmem:s2], $0x10  }
0x9b: {  	s1 =	simm.s32 @!p0 $0x3D  }
0x9c: {  	_ =	swait.ge @!p0 [sflag:s1], $0x10  }
0x9d: {  	[sflag:s1] =	ssyncset.done @!p0 $0x0  }
0x9e: {  	[sflag:s1] =	ssyncadd.s32 @!p0 $0xFFFFFFF0  }
0x9f: {  	[sflag:s1] =	ssyncpa.u1 @!p0 $0x1  }
0xa0: {  	[bflag:$0x0] =	sbarrier.arrive @!p0 $0xFFFF  }
0xa1: {  	_ =	strace @!p0 $0x9000004A  }
0xa2: {  	s0 =	sadd.s32 @!p0 $0x100000, s0;
	[bflag:$0x2] =	sbarrier.arrive @!p0 $0xFFFF  }
0xa3: {  	[sflag:s0] =	ssyncadd.tile.s32 @!p0 $0x1;
	_ =	shalt  }
.LBB3_2:
.Ltmp7:
0xa4: {  	(pc) =	sbr.rel .LBB3_5-.Ltmp7, $2  }
0xa5: {  	_ =	sdelay $0x2  }
0xa6: {  	s10 =	simm.s32 $0x1  }
.Lfunc_end3:
_tile_overlayer_lowered:
.L_overlay_start_3:
0xa7: {  	(tag) =	ssettag $0x3  }
0xa8: {  	s0 =	rddreg [dreg:$0x0];
	s2 =	stileid.u32  }
0xa9: {  	s1 =	rddreg [dreg:$0x1];
	p0 =	sne.s32 s2, $0x0  }
0xaa: {  	s3 =	rddreg [dreg:$0x2];
	[bflag:$0x3] =	sbarrier.arrive $0xFFFF;
	s2 =	simm.s32 @!p0 $0x1C01  }
0xab: {  	[timem:s3], [sflag:s2] =	dma.local @!p0 [hbm:s0], s1  }
0xac: {  	s0 =	simm.s32 @!p0 $0x1  }
0xad: {  	_ =	swait.ge @!p0 [sflag:s0], s1  }
0xae: {  	s1 =	ssub.s32 @!p0 $0x0, s1;
	[sflag:s0] =	ssyncset.done @!p0 $0x0  }
0xaf: {  	[sflag:s0] =	ssyncadd.s32 @!p0 s1  }
0xb0: {  	[bflag:$0x3] =	sbarrier.arrive $0xFFFF  }
0xb1: {  	_ =	shalt  }

// kernel: scatter_offload_async_start
scs
__scs_entry_jumppad:
0x0: {  	(pc) =	sbr.rel $0x88, $3  }
0x1: {  	(tag) =	ssettag $0x0;
	lr =	simm.s32 $0x1  }
0x2: {  	[smem:$0x3F99] =	sst lr;
	_ =	strace $0xD0000000  }
0x3: {  	_ = 	snop  }
0x4: {  	_ = 	snop  }
0x5: {  	_ = 	snop  }
0x6: {  	_ = 	snop  }
0x7: {  	_ = 	snop  }
__scs_overlays_trampoline_lowered:
0x8: {  	[smem:$0x3FA8] =	sst s0  }
0x9: {  	[smem:$0x3FA9] =	sst s1  }
0xa: {  	[smem:$0x3FAA] =	sst s2  }
0xb: {  	[smem:$0x3FAB] =	sst s3  }
0xc: {  	[smem:$0x3FAC] =	sst s4  }
0xd: {  	[smem:$0x3FAD] =	sst s5  }
0xe: {  	[smem:$0x3FAE] =	sst s6  }
0xf: {  	[smem:$0x3FAF] =	sst s7  }
0x10: {  	[smem:$0x3FB0] =	sst s8  }
0x11: {  	[smem:$0x3FB1] =	sst s9;
	s0 =	simm.s32 @!p0 $0x0  }
0x12: {  	s1 =	sld [smem:$0x3F97];
	s0 =	simm.s32 @p0 $0x1  }
0x13: {  	[smem:$0x3FB2] =	sst s0;
	s0 =	simm.s32 @!p1 $0x0  }
0x14: {  	s2 =	sld [smem:$0x3F96];
	s0 =	simm.s32 @p1 $0x1  }
0x15: {  	[smem:$0x3FB3] =	sst s0;
	s0 =	simm.s32 @!p2 $0x0  }
0x16: {  	s3 =	sld [smem:$0x3FDB];
	s0 =	simm.s32 @p2 $0x1  }
0x17: {  	s4 =	simm.s32 $0x1BF5;
	[smem:$0x3FB5] =	sst s0  }
0x18: {  	s0 =	sld [smem:$0x3F98];
	_ =	swait.ge [sflag:s4], $0x0  }
0x19: {  	s7 =	sld [smem:$0x3F99]  }
0x1a: {  	s8 =	sadd.s32 $0xFFFFE003, lr  }
0x1b: {  	s9 =	sadd.s32 $0xFFFFFEF7, lr;
	s5 =	simm.s32 $0xFFFFFFFF;
	p2 =	slt.u32 s8, $0xFFFFF086  }
0x1c: {  	p1 =	slt.u32 s9, $0xF7A;
	s5 =	simm.s32 @!p2 $0x0  }
0x1d: {  	s5 =	simm.s32 @p1 $0x1;
	p0 =	seq.s32 s7, s2  }
0x1e: {  	s7 =	smul.u32 @!p0 $0xF7A, s2;
	p2 =	seq.s32 @!p0 s5, $0x0  }
0x1f: {  	s9 =	smul.u32 $0xF7A, s1;
	s8 =	simm.s32 @!p0 $0x1BF5;
	p2 =	por !p2, p0  }
0x20: {  	[sflag:s8] =	ssyncset.s32 @!p0 $0xFFFFF086;
	s6 =	sadd.s32 @!p0 s3, s7;
	s7 =	simm.s32 @!p0 $0x108  }
0x21: {  	s3 =	sadd.s32 s3, s9;
	s6 =	sadd.s32 @!p0 $0x88, s6;
	s7 =	simm.s32 @p2 $0x1082  }
0x22: {  	[simem:s7], [sflag:s8] =	dma.local @!p0 [hbm:s6], $0xF7A  }
0x23: {  	s9 =	sor.u32 $0xD0000000, s2;
	s6 =	simm.s32 $0x108;
	_ =	swait.ge @!p0 [sflag:s8], $0x0  }
0x24: {  	s3 =	sadd.s32 $0x88, s3;
	s6 =	simm.s32 @!p1 $0x1082;
	[sflag:s4] =	ssyncset.s32 $0xFFFFF086  }
0x25: {  	[simem:s6], [sflag:s4] =	dma.local [hbm:s3], $0xF7A  }
0x26: {  	[smem:$0x3F99] =	sst s1;
	(tag) =	ssettag s2;
	_ =	strace s9  }
0x27: {  	s1 =	sld [smem:$0x3FA9]  }
0x28: {  	s2 =	sld [smem:$0x3FAA]  }
0x29: {  	s4 =	sld [smem:$0x3FAC]  }
0x2a: {  	p0 =	seq.s32 s5, $0x0;
	s5 =	sld [smem:$0x3FAD]  }
0x2b: {  	s6 =	sld [smem:$0x3FAE]  }
0x2c: {  	s7 =	sld [smem:$0x3FAF]  }
0x2d: {  	s3 =	simm.s32 $0x108;
	s8 =	sld [smem:$0x3FB0]  }
0x2e: {  	s3 =	simm.s32 @!p0 $0x1082;
	s9 =	sld [smem:$0x3FB1]  }
0x2f: {  	lr =	sadd.s32 s0, s3;
	s0 =	sld [smem:$0x3FA8]  }
0x30: {  	s3 =	sld [smem:$0x3FAB]  }
0x31: {  	[smem:$0x3FB4] =	sst s10  }
0x32: {  	s10 =	sld [smem:$0x3FB2];
	_ =	sdelay $0x3  }
0x33: {  	p0 =	seq.s32 s10, $0x1;
	s10 =	sld [smem:$0x3FB4];
	_ =	sdelay $0x3  }
0x34: {  	[smem:$0x3FB4] =	sst s10  }
0x35: {  	s10 =	sld [smem:$0x3FB3];
	_ =	sdelay $0x3  }
0x36: {  	p1 =	seq.s32 s10, $0x1;
	s10 =	sld [smem:$0x3FB4];
	_ =	sdelay $0x3  }
0x37: {  	[smem:$0x3FB4] =	sst s10  }
0x38: {  	s10 =	sld [smem:$0x3FB5]  }
0x39: {  	_ = 	snop;
	(pc) =	sbr.ind lr, $3  }
0x3a: {  	_ = 	snop  }
0x3b: {  	_ = 	snop  }
0x3c: {  	p2 =	seq.s32 s10, $0x1;
	s10 =	sld [smem:$0x3FB4]  }
0x3d: {  	_ =	shalt  }
0x3e: {  	_ =	shalt  }
0x3f: {  	_ =	shalt  }
0x40: {  	_ =	shalt  }
0x41: {  	_ =	shalt  }
0x42: {  	_ =	shalt  }
0x43: {  	_ =	shalt  }
0x44: {  	_ =	shalt  }
0x45: {  	_ =	shalt  }
0x46: {  	_ =	shalt  }
0x47: {  	_ =	shalt  }
0x48: {  	_ =	shalt  }
0x49: {  	_ =	shalt  }
0x4a: {  	_ =	shalt  }
0x4b: {  	_ =	shalt  }
0x4c: {  	_ =	shalt  }
0x4d: {  	_ =	shalt  }
0x4e: {  	_ =	shalt  }
0x4f: {  	_ =	shalt  }
0x50: {  	_ =	shalt  }
0x51: {  	_ =	shalt  }
0x52: {  	_ =	shalt  }
0x53: {  	_ =	shalt  }
0x54: {  	_ =	shalt  }
0x55: {  	_ =	shalt  }
0x56: {  	_ =	shalt  }
0x57: {  	_ =	shalt  }
0x58: {  	_ =	shalt  }
0x59: {  	_ =	shalt  }
0x5a: {  	_ =	shalt  }
0x5b: {  	_ =	shalt  }
0x5c: {  	_ =	shalt  }
0x5d: {  	_ =	shalt  }
0x5e: {  	_ =	shalt  }
0x5f: {  	_ =	shalt  }
0x60: {  	_ =	shalt  }
0x61: {  	_ =	shalt  }
0x62: {  	_ =	shalt  }
0x63: {  	_ =	shalt  }
0x64: {  	_ =	shalt  }
0x65: {  	_ =	shalt  }
0x66: {  	_ =	shalt  }
0x67: {  	_ =	shalt  }
0x68: {  	_ =	shalt  }
0x69: {  	_ =	shalt  }
0x6a: {  	_ =	shalt  }
0x6b: {  	_ =	shalt  }
0x6c: {  	_ =	shalt  }
0x6d: {  	_ =	shalt  }
0x6e: {  	_ =	shalt  }
0x6f: {  	_ =	shalt  }
0x70: {  	_ =	shalt  }
0x71: {  	_ =	shalt  }
0x72: {  	_ =	shalt  }
0x73: {  	_ =	shalt  }
0x74: {  	_ =	shalt  }
0x75: {  	_ =	shalt  }
0x76: {  	_ =	shalt  }
0x77: {  	_ =	shalt  }
0x78: {  	_ =	shalt  }
0x79: {  	_ =	shalt  }
0x7a: {  	_ =	shalt  }
0x7b: {  	_ =	shalt  }
0x7c: {  	_ =	shalt  }
0x7d: {  	_ =	shalt  }
0x7e: {  	_ =	shalt  }
0x7f: {  	_ =	shalt  }
0x80: {  	_ =	shalt  }
0x81: {  	_ =	shalt  }
0x82: {  	_ =	shalt  }
0x83: {  	_ =	shalt  }
0x84: {  	_ =	shalt  }
0x85: {  	_ =	shalt  }
0x86: {  	_ =	shalt  }
0x87: {  	_ =	shalt  }
.Lfunc_end0:
.L_simem_size_0:
called_computation_lowered:
.L_overlay_start_0:
0x88: {  	s0 =	sld [smem:$0x3FD9]  }
0x89: {  	s1 =	sld [smem:$0x3FFE];
	_ =	sdelay $0x3  }
0x8a: {  	s0 =	sadd.s32 s1, s0  }
0x8b: {  	[smem:$0x3FC0] =	sst s0  }
0x8c: {  	_ = 	snop  }
0x8d: {  	s0 =	sld [smem:$0x3FD0];
	(tm) =	ssettm $0x1  }
0x8e: {  	s16 =	sld [smem:$0x3FFB];
	_ =	sdelay $0x3  }
0x8f: {  	_ =	strace s16  }
0x90: {  	s1 =	sld [smem:$0x3FFC];
	_ =	sdelay $0x3  }
0x91: {  	_ =	strace s1  }
0x92: {  	s1 =	sld [smem:$0x3FFD];
	_ =	sdelay $0x3  }
0x93: {  	_ =	strace s1  }
0x94: {  	_ =	strace $0x8FFFFFFF  }
0x95: {  	s17 =	sld [smem:$0x3FDB];
	_ =	sdelay $0x1  }
0x96: {  	s2 =	simm.s32 $_scs_section_size  }
0x97: {  	s3 =	simm.s32 $_size__tile_overlayer_lowered;
	s4 =	simm.s32 $_tile_overlayer_lowered  }
0x98: {  	s20 =	simm.s32 $0x1BFF;
	s19 =	sshll.u32 s4, $0x1;
	s1 =	sadd.s32 s2, s17  }
0x99: {  	s5 =	simm.s32 $0x0;
	s18 =	sshll.u32 s3, $0x1;
	s3 =	sadd.s32 s19, s1  }
0x9a: {  	[timem:s5], [sflag:s20] =	dma.local [hbm:s3], s18  }
0x9b: {  	_ =	swait.ge [sflag:s20], s18  }
0x9c: {  	s2 =	ssub.s32 $0x0, s18;
	[sflag:s20] =	ssyncset.done $0x0  }
0x9d: {  	[sflag:s20] =	ssyncadd.s32 s2;
	_ =	sdelay $0x1  }
0x9e: {  	s21 =	simm.s32 $0x1B8B  }
0x9f: {  	_ =	swait.ge [sflag:s21], $0x1  }
0xa0: {  	[sflag:s21] =	ssyncset.done $0x0  }
0xa1: {  	s23 =	simm.s32 $0x1B8E;
	s22 =	sld [smem:$0x3FFE];
	[sflag:s21] =	ssyncadd.s32 $0xFFFFFFFF  }
0xa2: {  	s24 =	simm.s32 $execute0_lowered;
	[smem:$0x3FD2] =	sst s23  }
0xa3: {  	s3 =	sshll.u32 s24, $0x1;
	_ =	strace $0x8000004C;
	[dreg:$0x1] =	wrdreg $0xFFFFFFFF  }
0xa4: {  	s25 =	simm.s32 $_size_execute0_lowered;
	s1 =	sadd.s32 s1, s3;
	[dreg:$0x0] =	wrdreg $0x0  }
0xa5: {  	s3 =	sshll.u32 s25, $0x1;
	[dreg:$0x2] =	wrdreg s1  }
0xa6: {  	[dreg:$0x3] =	wrdreg s3  }
0xa7: {  	[dreg:$0x4] =	wrdreg $0xC0  }
0xa8: {  	_ =	task [dreg:s5], $0x5FFFF  }
0xa9: {  	[dreg:$0x1] =	wrdreg $0xFFFFFFFF  }
0xaa: {  	[dreg:$0x0] =	wrdreg $0x60  }
0xab: {  	[dreg:$0x2] =	wrdreg s0  }
0xac: {  	[dreg:$0x3] =	wrdreg s22  }
0xad: {  	[dreg:$0x4] =	wrdreg $0x9  }
0xae: {  	_ =	task.clear_ibuf [dreg:s5], $0x5FFFF;
	_ =	strace $0x9000004C  }
0xaf: {  	s26 =	simm.s32 $0x9;
	_ =	strace $0x8000004E  }
0xb0: {  	_ =	swait.ge [sflag:s26], $0x1  }
0xb1: {  	[sflag:s26] =	ssyncadd.s32 $0xFFFFFFFF  }
0xb2: {  	_ =	strace $0x9000004E  }
0xb3: {  	_ =	sfence  }
0xb4: {  	s28 =	sld [smem:$0x0];
	_ =	sdelay $0x1  }
0xb5: {  	s29 =	srdreg.scid  }
0xb6: {  	s30 =	sshll.u32 s29, $0xD;
	s31 =	sshrl.u32 s29, $0x2  }
0xb7: {  	s2 =	sand.u32 $0x4000, s30;
	s1 =	sand.u32 $0x1, s29;
	s0 =	sadd.s32 s31, s28  }
0xb8: {  	s1 =	sor.u32 s2, s1;
	s0 =	sshll.u32 s0, $0x11  }
0xb9: {  	s0 =	sor.u32 s0, s1  }
0xba: {  	s0 =	sadd.s32 $0x8F2B, s0  }
0xbb: {  	[sflag:s0] =	ssyncadd.remote.s32 $0x1  }
0xbc: {  	_ =	sfence.sel $0xFFFF  }
0xbd: {  	[dreg:$0x0] =	wrdreg $0xFFFFFFFF;
	(pc) =	sbr.abs _section_cstart, $3  }
0xbe: {  	[dreg:$0x1] =	wrdreg $0xFFFFFFFF  }
0xbf: {  	_ =	task.clear_ibuf [dreg:s5], $0x2FFFF;
	_ =	strace $0x9FFFFFFF  }
0xc0: {  	(tm) =	ssettm $0x7FFFFFFF  }
0xc1: {  	_ =	shalt  }
tec
execute0_lowered:
.L_overlay_start_1:
0x0: {  	(tag) =	ssettag $0x1  }
0x1: {  	s1 =	rddreg [dreg:$0x0]  }
0x2: {  	s5 =	rddreg [dreg:$0x1]  }
0x3: {  	s0 =	rddreg [dreg:$0x2]  }
0x4: {  	s2 =	stileid.u32;
	_ =	strace $0x8000004D;
	s3 =	simm.s32 $0x3E  }
0x5: {  	p0 =	sne.s32 s2, $0x0;
	[sflag:s3] =	ssyncpa.u1 $0x0  }
0x6: {  	s4 =	simm.s32 @!p0 $0x1C3E;
	s2 =	simm.s32 @!p0 $0x0;
	s6 =	simm.s32 @!p0 $0x0  }
0x7: {  	[spmem:s2], [sflag:s4] =	dma.local @!p0 [hbm:s1], $0x10  }
0x8: {  	s6 =	simm.s32 @p0 $0x10  }
0x9: {  	s7 =	ssub.s32 $0x10, s6  }
0xa: {  	s4 =	simm.s32 @!p0 $0x3E;
	s7 =	sshrl.u32 s7, $0x4  }
0xb: {  	_ =	swait.ge @!p0 [sflag:s4], $0x10;
	s8 =	sadd.s32 $0x1, s7  }
0xc: {  	s9 =	sadd.s32 $0x400, s5;
	[sflag:s4] =	ssyncset.done @!p0 $0x0;
	p3 =	sne.s32 s8, $0x1  }
.Ltmp0:
0xd: {  	s10 =	sshrl.u32 s6, $0x3;
	[sflag:s4] =	ssyncadd.s32 @!p0 $0xFFFFFFF0;
	(pc) =	sbr.rel @!p3 .LBB2_5-.Ltmp0, $4  }
0xe: {  	p2 =	por $0x0, $0x0;
	s6 =	sadd.s32 s9, s10;
	[bflag:$0x0] =	sbarrier.arrive $0xFFFF  }
0xf: {  	s5 =	sadd.s32 s5, s10;
	[sflag:s3] =	ssyncpa.u1 $0x1;
	s3 =	simm.s32 $0x1  }
0x10: {  	s10 =	simm.s32 $0x0;
	s4 =	simm.s32 $0x2;
	[sflag:s3] =	ssyncpa.u1 $0x0  }
0x11: {  	s9 =	simm.s32 $0x1;
	(ifvalue) =	ssetifvalue $0x80;
	[sflag:s4] =	ssyncpa.u1 $0x0  }
0x12: {  	p2 =	sle.u32 s7, $0x0  }
0x13: {  	s10 =	simm.s32 @!p2 $0x0;
	s11 =	simm.s32 @!p2 $0x18  }
0x14: {  	[tilespmem:s11], [sflag:$0x2] =	stream.linear.gather @!p2 [hbm4b:s6+s10], $0x10, $0x38;
	[tilespmem:$0x48] =	vst v63  }
0x15: {  	p1 =	por $0x1, $0x1;
	s11 =	simm.s32 @!p2 $0x38  }
0x16: {  	[tilespmem:s11], [sflag:$0x2] =	stream.linear.gather @!p2 [hbm4b:s5+s10], $0x10, $0x38;
	[tilespmem:$0x48] =	vst v63  }
0x17: {  	s10 =	simm.s32 @!p1 $0x2  }
0x18: {  	_ =	swait.ge @!p1 [sflag:s10], $0x20  }
0x19: {  	[sflag:s10] =	ssyncset.done @!p1 $0x0  }
0x1a: {  	s11 =	simm.s32 @!p1 $0x18;
	[sflag:s10] =	ssyncadd.s32 @!p1 $0xFFFFFFE0  }
0x1b: {  	v0 =	vld.msk @!p1 [tilespmem:s11+$0x0 ss:$0x1], $0xffff;
	_ =	sdelay $0x4  }
0x1c: {  	v0 =	vmin.u32 @!p1 v0, $0x80;
	_ =	sdelay $0x1  }
0x1d: {  	p3 =	sne.s32 s8, $0x2  }
.Ltmp1:
0x1e: {  	_ = 	snop;
	(pc) =	sbr.rel @!p3 .LBB2_2-.Ltmp1, $4  }
0x1f: {  	vm0 =	vmmov @!p1 $0xffff;
	s10 =	simm.s32 @!p1 $0x38;
	s11 =	simm.s32 @!p1 $0x0  }
0x20: {  	[spmem:s11] =	stream.indirect_vreg.scatter.add.s32 @!p1 [tilespmem:s10], [sflag:$0x1], $0x1, v0, vm0, $0x4038;
	[tilespmem:$0x48] =	vst v63  }
0x21: {  	s11 =	simm.s32 @!p1 $0x1  }
0x22: {  	p2 =	por $0x1, $0x1;
	s10 =	simm.s32 $0x2;
	_ =	swait.ge @!p1 [sflag:s11], $0x10  }
.LBB2_3:
0x23: {  	p4 =	sge.u32 s9, s7  }
0x24: {  	[sflag:s11] =	ssyncset.done @!p1 $0x0;
	s12 =	smov.u32 s10;
	s10 =	sadd.s32 $0x1, s10  }
0x25: {  	s13 =	simm.s32 @!p4 $0x0;
	s14 =	simm.s32 @!p4 $0x18;
	[sflag:s11] =	ssyncadd.s32 @!p1 $0xFFFFFFF0  }
0x26: {  	[tilespmem:s14], [sflag:$0x2] =	stream.linear.gather @!p4 [hbm4b:s6+s13], $0x10, $0x38;
	[tilespmem:$0x48] =	vst v63  }
0x27: {  	p3 =	sne.s32 s8, s10;
	s11 =	simm.s32 @!p4 $0x38;
	p1 =	seq.s32 s9, $0x0  }
0x28: {  	[tilespmem:s11], [sflag:$0x2] =	stream.linear.gather @!p4 [hbm4b:s5+s13], $0x10, $0x38;
	[tilespmem:$0x48] =	vst v63  }
0x29: {  	s9 =	smov.u32 s12;
	s11 =	simm.s32 @!p1 $0x2  }
0x2a: {  	_ =	swait.ge @!p1 [sflag:s11], $0x20  }
0x2b: {  	s12 =	simm.s32 @!p1 $0x18;
	[sflag:s11] =	ssyncset.done @!p1 $0x0  }
0x2c: {  	[sflag:s11] =	ssyncadd.s32 @!p1 $0xFFFFFFE0  }
0x2d: {  	v0 =	vld.msk @!p1 [tilespmem:s12+$0x0 ss:$0x1], $0xffff;
	_ =	sdelay $0x5  }
0x2e: {  	v0 =	vmin.u32 @!p1 v0, $0x80;
	_ =	sdelay $0x1  }
.Ltmp2:
0x2f: {  	(pc) =	sbr.rel @p3 .LBB2_3-.Ltmp2, $4  }
0x30: {  	vm0 =	vmmov @!p1 $0xffff;
	s13 =	simm.s32 @!p1 $0x0;
	s12 =	simm.s32 @!p1 $0x38  }
0x31: {  	s11 =	simm.s32 @!p1 $0x1  }
0x32: {  	[spmem:s13] =	stream.indirect_vreg.scatter.add.s32 @!p1 [tilespmem:s12], [sflag:$0x1], $0x1, v0, vm0, $0x4038;
	[tilespmem:$0x48] =	vst v63  }
0x33: {  	_ =	swait.ge @!p1 [sflag:s11], $0x10  }
0x34: {  	s10 =	smov.u32 s9  }
.LBB2_5:
0x35: {  	p1 =	por p1, !p2  }
0x36: {  	p2 =	sge.u32 s10, s7;
	[sflag:s11] =	ssyncset.done @!p1 $0x0  }
0x37: {  	s7 =	simm.s32 @!p2 $0x0;
	s8 =	simm.s32 @!p2 $0x18;
	[sflag:s11] =	ssyncadd.s32 @!p1 $0xFFFFFFF0  }
0x38: {  	[tilespmem:s8], [sflag:$0x2] =	stream.linear.gather @!p2 [hbm4b:s6+s7], $0x10, $0x38;
	[tilespmem:$0x48] =	vst v63  }
0x39: {  	p1 =	seq.s32 s10, $0x0;
	s6 =	simm.s32 @!p2 $0x38  }
0x3a: {  	[tilespmem:s6], [sflag:$0x2] =	stream.linear.gather @!p2 [hbm4b:s5+s7], $0x10, $0x38;
	[tilespmem:$0x48] =	vst v63  }
0x3b: {  	s5 =	simm.s32 @!p1 $0x2  }
0x3c: {  	_ =	swait.ge @!p1 [sflag:s5], $0x20  }
0x3d: {  	[sflag:s5] =	ssyncset.done @!p1 $0x0  }
0x3e: {  	s6 =	simm.s32 @!p1 $0x18;
	[sflag:s5] =	ssyncadd.s32 @!p1 $0xFFFFFFE0  }
0x3f: {  	v0 =	vld.msk @!p1 [tilespmem:s6+$0x0 ss:$0x1], $0xffff;
	_ =	sdelay $0x4  }
0x40: {  	v0 =	vmin.u32 @!p1 v0, $0x80;
	_ =	sdelay $0x3  }
0x41: {  	vm0 =	vmmov @!p1 $0xffff;
	s7 =	simm.s32 @!p1 $0x1;
	s5 =	simm.s32 @!p1 $0x38;
	s6 =	simm.s32 @!p1 $0x0  }
0x42: {  	[spmem:s6] =	stream.indirect_vreg.scatter.add.s32 @!p1 [tilespmem:s5], [sflag:$0x1], $0x1, v0, vm0, $0x4038;
	[tilespmem:$0x48] =	vst v63  }
0x43: {  	_ =	swait.ge @!p1 [sflag:s7], $0x10  }
0x44: {  	[sflag:s7] =	ssyncset.done @!p1 $0x0  }
0x45: {  	[sflag:s7] =	ssyncadd.s32 @!p1 $0xFFFFFFF0  }
0x46: {  	_ =	sfence.sel $0x180000  }
0x47: {  	[bflag:$0x0] =	sbarrier.arrive $0xFFFF  }
0x48: {  	[sflag:s4] =	ssyncpa.u1 $0x1  }
0x49: {  	[sflag:s3] =	ssyncpa.u1 $0x1  }
0x4a: {  	_ =	sfence.stream.spmem  }
0x4b: {  	s31 =	simm.s32 $0x3D;
	[bflag:$0x0] =	sbarrier.arrive $0xFFFF  }
0x4c: {  	s3 =	simm.s32 @p0 $0x3D;
	[sflag:s31] =	ssyncpa.u1 $0x0  }
0x4d: {  	[sflag:s3] =	ssyncpa.u1 @p0 $0x1  }
0x4e: {  	[bflag:$0x0] =	sbarrier.arrive @p0 $0xFFFF  }
0x4f: {  	_ =	strace @p0 $0x9000004D  }
0x50: {  	s3 =	simm.s32 @!p0 $0x1C3D;
	[bflag:$0x2] =	sbarrier.arrive @p0 $0xFFFF  }
0x51: {  	[hbm:s1], [sflag:s3] =	dma.local @!p0 [spmem:s2], $0x10  }
0x52: {  	s1 =	simm.s32 @!p0 $0x3D  }
0x53: {  	_ =	swait.ge @!p0 [sflag:s1], $0x10  }
0x54: {  	[sflag:s1] =	ssyncset.done @!p0 $0x0  }
0x55: {  	[sflag:s1] =	ssyncadd.s32 @!p0 $0xFFFFFFF0  }
0x56: {  	[sflag:s1] =	ssyncpa.u1 @!p0 $0x1  }
0x57: {  	[bflag:$0x0] =	sbarrier.arrive @!p0 $0xFFFF  }
0x58: {  	_ =	strace @!p0 $0x9000004D  }
0x59: {  	s0 =	sadd.s32 @!p0 $0x100000, s0;
	[bflag:$0x2] =	sbarrier.arrive @!p0 $0xFFFF  }
0x5a: {  	[sflag:s0] =	ssyncadd.tile.s32 @!p0 $0x1;
	_ =	shalt  }
.LBB2_2:
.Ltmp3:
0x5b: {  	(pc) =	sbr.rel .LBB2_5-.Ltmp3, $2  }
0x5c: {  	_ =	sdelay $0x2  }
0x5d: {  	s10 =	simm.s32 $0x1  }
.Lfunc_end2:
_tile_overlayer_lowered:
.L_overlay_start_2:
0x5e: {  	(tag) =	ssettag $0x2  }
0x5f: {  	s0 =	rddreg [dreg:$0x0];
	s2 =	stileid.u32  }
0x60: {  	s1 =	rddreg [dreg:$0x1];
	p0 =	sne.s32 s2, $0x0  }
0x61: {  	s3 =	rddreg [dreg:$0x2];
	[bflag:$0x3] =	sbarrier.arrive $0xFFFF;
	s2 =	simm.s32 @!p0 $0x1C01  }
0x62: {  	[timem:s3], [sflag:s2] =	dma.local @!p0 [hbm:s0], s1  }
0x63: {  	s0 =	simm.s32 @!p0 $0x1  }
0x64: {  	_ =	swait.ge @!p0 [sflag:s0], s1  }
0x65: {  	s1 =	ssub.s32 @!p0 $0x0, s1;
	[sflag:s0] =	ssyncset.done @!p0 $0x0  }
0x66: {  	[sflag:s0] =	ssyncadd.s32 @!p0 s1  }
0x67: {  	[bflag:$0x3] =	sbarrier.arrive $0xFFFF  }
0x68: {  	_ =	shalt  }

</sc_bundles>
